<compile_context>
chip_gen: v7x
topology: tpu7x:2x2x1
jax: 0.10.2.dev20260603
libtpu: 0.0.44.dev20260713+nightly
codegen_flags: <defaults>
</compile_context>

<pallas_src>
import jax
import jax.numpy as jnp
from jax import lax
from jax.experimental import pallas as pl
from jax.experimental.pallas import tpu as pltpu
from jax.experimental.pallas import tpu_sc as plsc

N_NODES = 10000
N_EDGES = 160000
D_FEAT = 256
D_EDGE = 16

LANES = 16
NW = 16
E_W = N_EDGES // NW
GROUPS = E_W // LANES
ROWS = N_EDGES // LANES


def _tc_scores_body(nf_ref, wsd_ref, efT_ref, we_ref, b_ref, s2_ref, e_ref):
    s2_ref[...] = jnp.dot(nf_ref[...], wsd_ref[...],
                          preferred_element_type=jnp.float32)
    x = efT_ref[...]
    wc = we_ref[...]
    e_ref[...] = jnp.sum(x * wc, axis=0) + b_ref[0]


def _sc_softmax_body(s2_hbm, ei_hbm, e3_hbm, out_hbm,
                     table_v, i0_v, i1_v, e_v, l_v, red_v, stage_v,
                     shared_max, shared_sum):
    wid = lax.axis_index("s")
    base = wid * E_W
    pltpu.sync_copy(s2_hbm, table_v)
    pltpu.sync_copy(ei_hbm.at[pl.ds(base, E_W)], i0_v)
    pltpu.sync_copy(ei_hbm.at[pl.ds(N_EDGES + base, E_W)], i1_v)
    pltpu.sync_copy(e3_hbm.at[pl.ds(base, E_W)], e_v)

    @plsc.parallel_loop(0, E_W, LANES, unroll=8,
                        carry=jnp.zeros((LANES,), jnp.float32))
    def m(i, acc):
        ds = pl.ds(i, LANES)
        s0 = plsc.load_gather(table_v, [i0_v[ds] * 2])
        s1 = plsc.load_gather(table_v, [i1_v[ds] * 2 + 1])
        logit = jnp.maximum(s0 + s1 + e_v[ds], 0.0)
        l_v[ds] = logit
        return jnp.maximum(acc, logit)

    stage_v[...] = m
    pltpu.sync_copy(stage_v, shared_max.at[pl.ds(wid * LANES, LANES)])
    plsc.subcore_barrier()
    pltpu.sync_copy(shared_max, red_v)
    g = red_v[pl.ds(0, LANES)]
    for i in range(1, NW):
        g = jnp.maximum(g, red_v[pl.ds(i * LANES, LANES)])
    gmax = jnp.max(g)

    @plsc.parallel_loop(0, E_W, LANES, unroll=8,
                        carry=jnp.zeros((LANES,), jnp.float32))
    def s(i, acc):
        ds = pl.ds(i, LANES)
        t = jnp.exp(l_v[ds] - gmax)
        l_v[ds] = t
        return acc + t

    stage_v[...] = s
    pltpu.sync_copy(stage_v, shared_sum.at[pl.ds(wid * LANES, LANES)])
    plsc.subcore_barrier()
    pltpu.sync_copy(shared_sum, red_v)
    a = red_v[pl.ds(0, LANES)]
    for i in range(1, NW):
        a = a + red_v[pl.ds(i * LANES, LANES)]
    inv = jnp.ones((LANES,), jnp.float32) / jnp.broadcast_to(jnp.sum(a), (LANES,))

    @plsc.parallel_loop(0, E_W, LANES, unroll=8)
    def _(i):
        ds = pl.ds(i, LANES)
        l_v[ds] = l_v[ds] * inv

    pltpu.sync_copy(l_v, out_hbm.at[pl.ds(base, E_W)])


def kernel(node_feature, edge_index, ef_init, W, b):
    ei_flat = edge_index.astype(jnp.int32).reshape(2 * N_EDGES)
    w = W[:, 0]
    wsd = jnp.stack([w[:D_FEAT], w[D_FEAT:2 * D_FEAT]], axis=1)
    we = w[2 * D_FEAT:].reshape(D_EDGE, 1)
    efT = ef_init.T

    blk_n = 2000
    blk_e = 32768
    s2, e = pl.pallas_call(
        _tc_scores_body,
        grid=(pl.cdiv(N_NODES, blk_n),),
        out_shape=(jax.ShapeDtypeStruct((N_NODES, 2), jnp.float32),
                   jax.ShapeDtypeStruct((N_EDGES,), jnp.float32)),
        in_specs=[pl.BlockSpec((blk_n, D_FEAT), lambda i: (i, 0)),
                  pl.BlockSpec((D_FEAT, 2), lambda i: (0, 0)),
                  pl.BlockSpec((D_EDGE, blk_e), lambda i: (0, i)),
                  pl.BlockSpec((D_EDGE, 1), lambda i: (0, 0)),
                  pl.BlockSpec(memory_space=pltpu.SMEM)],
        out_specs=(pl.BlockSpec((blk_n, 2), lambda i: (i, 0)),
                   pl.BlockSpec((blk_e,), lambda i: (i,))),
    )(node_feature, wsd, efT, we, b)
    table = s2.reshape(2 * N_NODES)

    mesh = plsc.VectorSubcoreMesh(core_axis_name="c", subcore_axis_name="s",
                                  num_cores=1)
    out = pl.kernel(
        _sc_softmax_body,
        out_type=jax.ShapeDtypeStruct((N_EDGES,), jnp.float32),
        mesh=mesh,
        compiler_params=pltpu.CompilerParams(needs_layout_passes=False),
        scratch_types=[
            pltpu.VMEM((2 * N_NODES,), jnp.float32),
            pltpu.VMEM((E_W,), jnp.int32),
            pltpu.VMEM((E_W,), jnp.int32),
            pltpu.VMEM((E_W,), jnp.float32),
            pltpu.VMEM((E_W,), jnp.float32),
            pltpu.VMEM((NW * LANES,), jnp.float32),
            pltpu.VMEM((LANES,), jnp.float32),
            pltpu.VMEM_SHARED((NW * LANES,), jnp.float32),
            pltpu.VMEM_SHARED((NW * LANES,), jnp.float32),
        ],
    )(table, ei_flat, e)
    return out

# --- scband reference (transcript-rebuilt; emitter-appended) ---
"""Pipeline reference for scband-graph-actor-38319698215245 (READ-ONLY COPY).

The authoritative reference and input builder live on the scoring server;
editing this copy changes nothing except your own understanding.
"""

import jax, jax.numpy as jnp
import numpy as np

N_NODES = 10000
N_EDGES = 160000
D_FEAT = 256
D_EDGE = 16


def setup_inputs(seed: int = 0) -> dict:
    key = jax.random.key(seed)
    k0, k1, k2, k3 = jax.random.split(key, 4)
    node_feature = jax.random.normal(k0, (N_NODES, D_FEAT), dtype=jnp.float32)
    edge_index = jax.random.randint(k1, (2, N_EDGES), 0, N_NODES, dtype=jnp.int64)
    ef_init = jax.random.normal(k2, (N_EDGES, D_EDGE), dtype=jnp.float32)
    # Actor MLP: single Linear(2*D_FEAT + D_EDGE -> 1) with ReLU out activation (num_neurons=[])
    actor_in = 2 * D_FEAT + D_EDGE
    W = jax.random.normal(k3, (actor_in, 1), dtype=jnp.float32) * 0.02
    b = jnp.zeros((1,), dtype=jnp.float32)
    return {"node_feature": node_feature, "edge_index": edge_index, "ef_init": ef_init, "W": W, "b": b}


def reference(node_feature, edge_index, ef_init, W, b):
    # apply_edges over all action edges: gather src/dst node features, concat with edge data
    src = jnp.take(node_feature, edge_index[0], axis=0)  # [E, D_FEAT]
    dst = jnp.take(node_feature, edge_index[1], axis=0)  # [E, D_FEAT]
    actor_input = jnp.concatenate([src, dst, ef_init], axis=1)  # [E, 2*D_FEAT + D_EDGE]
    logits = jax.nn.relu(actor_input @ W + b)  # [E, 1], out_activation='ReLU'
    action_probs = jax.nn.softmax(logits, axis=0)  # softmax over edge dim (dim=0)
    return action_probs.squeeze(1)  # [E]

if __name__ == "__main__":
    import jax
    _d = setup_inputs()
    print(jax.jit(kernel)(*tuple(_d.values())))

</pallas_src>

<mosaic_0001>
#map = affine_map<(d0, d1) -> (0)>
module attributes {stable_mosaic.version = 14 : i64} {
  func.func @_sc_softmax_body(%arg0: i32, %arg1: i32, %arg2: memref<20000xf32, #tpu.memory_space<hbm>>, %arg3: memref<320000xi32, #tpu.memory_space<hbm>>, %arg4: memref<160000xf32, #tpu.memory_space<hbm>>, %arg5: memref<160000xf32, #tpu.memory_space<hbm>>, %arg6: memref<20000xf32, #tpu.memory_space<vmem>>, %arg7: memref<10000xi32, #tpu.memory_space<vmem>>, %arg8: memref<10000xi32, #tpu.memory_space<vmem>>, %arg9: memref<10000xf32, #tpu.memory_space<vmem>>, %arg10: memref<10000xf32, #tpu.memory_space<vmem>>, %arg11: memref<256xf32, #tpu.memory_space<vmem>>, %arg12: memref<16xf32, #tpu.memory_space<vmem>>, %arg13: memref<256xf32, #tpu.memory_space<vmem_shared>>, %arg14: memref<256xf32, #tpu.memory_space<vmem_shared>>) attributes {dimension_semantics = [#tpu.dimension_semantics<core_parallel>, #tpu.dimension_semantics<subcore_parallel>], iteration_bounds = array<i64: 1, 16>, scalar_prefetch = 0 : i64, scratch_operands = 9 : i64, tpu.core_type = #tpu.core_type<sc_vector_subcore>, window_params = [{transform_indices = #map}, {transform_indices = #map}, {transform_indices = #map}, {transform_indices = #map}]} {
    %mul3A = arith.constant 10000 : i32
    %mul3A_0 = arith.muli %arg1, %mul3A : i32
    "tpu.region"() ({
      %run_scoped3A = tpu.sem_alloc : memref<!tpu.dma_semaphore, #tpu.memory_space<semaphore_mem>>
      tpu.enqueue_dma source(%arg2 : memref<20000xf32, #tpu.memory_space<hbm>>) target(%arg6 : memref<20000xf32, #tpu.memory_space<vmem>>) target_semaphore(%run_scoped3A : memref<!tpu.dma_semaphore, #tpu.memory_space<semaphore_mem>>)
      tpu.wait_dma2 semaphore(%run_scoped3A : memref<!tpu.dma_semaphore, #tpu.memory_space<semaphore_mem>>) src(%arg2 : memref<20000xf32, #tpu.memory_space<hbm>>) dst(%arg6 : memref<20000xf32, #tpu.memory_space<vmem>>)
      tpu.yield
    }) : () -> ()
    "tpu.region"() ({
      %run_scoped3A = tpu.sem_alloc : memref<!tpu.dma_semaphore, #tpu.memory_space<semaphore_mem>>
      %dma_start3A = tpu.memref_slice %arg3[%mul3A_0] : memref<320000xi32, #tpu.memory_space<hbm>> -> memref<10000xi32, #tpu.memory_space<hbm>>
      %dma_start3A_124 = tpu.memref_slice %arg3[%mul3A_0] : memref<320000xi32, #tpu.memory_space<hbm>> -> memref<10000xi32, #tpu.memory_space<hbm>>
      tpu.enqueue_dma source(%dma_start3A_124 : memref<10000xi32, #tpu.memory_space<hbm>>) target(%arg7 : memref<10000xi32, #tpu.memory_space<vmem>>) target_semaphore(%run_scoped3A : memref<!tpu.dma_semaphore, #tpu.memory_space<semaphore_mem>>)
      %dma_wait3A = tpu.memref_slice %arg3[%mul3A_0] : memref<320000xi32, #tpu.memory_space<hbm>> -> memref<10000xi32, #tpu.memory_space<hbm>>
      %dma_wait3A_125 = tpu.memref_slice %arg3[%mul3A_0] : memref<320000xi32, #tpu.memory_space<hbm>> -> memref<10000xi32, #tpu.memory_space<hbm>>
      tpu.wait_dma2 semaphore(%run_scoped3A : memref<!tpu.dma_semaphore, #tpu.memory_space<semaphore_mem>>) src(%dma_wait3A_125 : memref<10000xi32, #tpu.memory_space<hbm>>) dst(%arg7 : memref<10000xi32, #tpu.memory_space<vmem>>)
      tpu.yield
    }) : () -> ()
    %add3A = arith.constant 160000 : i32
    %add3A_1 = arith.addi %add3A, %mul3A_0 : i32
    "tpu.region"() ({
      %run_scoped3A = tpu.sem_alloc : memref<!tpu.dma_semaphore, #tpu.memory_space<semaphore_mem>>
      %dma_start3A = tpu.memref_slice %arg3[%add3A_1] : memref<320000xi32, #tpu.memory_space<hbm>> -> memref<10000xi32, #tpu.memory_space<hbm>>
      %dma_start3A_124 = tpu.memref_slice %arg3[%add3A_1] : memref<320000xi32, #tpu.memory_space<hbm>> -> memref<10000xi32, #tpu.memory_space<hbm>>
      tpu.enqueue_dma source(%dma_start3A_124 : memref<10000xi32, #tpu.memory_space<hbm>>) target(%arg8 : memref<10000xi32, #tpu.memory_space<vmem>>) target_semaphore(%run_scoped3A : memref<!tpu.dma_semaphore, #tpu.memory_space<semaphore_mem>>)
      %dma_wait3A = tpu.memref_slice %arg3[%add3A_1] : memref<320000xi32, #tpu.memory_space<hbm>> -> memref<10000xi32, #tpu.memory_space<hbm>>
      %dma_wait3A_125 = tpu.memref_slice %arg3[%add3A_1] : memref<320000xi32, #tpu.memory_space<hbm>> -> memref<10000xi32, #tpu.memory_space<hbm>>
      tpu.wait_dma2 semaphore(%run_scoped3A : memref<!tpu.dma_semaphore, #tpu.memory_space<semaphore_mem>>) src(%dma_wait3A_125 : memref<10000xi32, #tpu.memory_space<hbm>>) dst(%arg8 : memref<10000xi32, #tpu.memory_space<vmem>>)
      tpu.yield
    }) : () -> ()
    "tpu.region"() ({
      %run_scoped3A = tpu.sem_alloc : memref<!tpu.dma_semaphore, #tpu.memory_space<semaphore_mem>>
      %dma_start3A = tpu.memref_slice %arg4[%mul3A_0] : memref<160000xf32, #tpu.memory_space<hbm>> -> memref<10000xf32, #tpu.memory_space<hbm>>
      %dma_start3A_124 = tpu.memref_slice %arg4[%mul3A_0] : memref<160000xf32, #tpu.memory_space<hbm>> -> memref<10000xf32, #tpu.memory_space<hbm>>
      tpu.enqueue_dma source(%dma_start3A_124 : memref<10000xf32, #tpu.memory_space<hbm>>) target(%arg9 : memref<10000xf32, #tpu.memory_space<vmem>>) target_semaphore(%run_scoped3A : memref<!tpu.dma_semaphore, #tpu.memory_space<semaphore_mem>>)
      %dma_wait3A = tpu.memref_slice %arg4[%mul3A_0] : memref<160000xf32, #tpu.memory_space<hbm>> -> memref<10000xf32, #tpu.memory_space<hbm>>
      %dma_wait3A_125 = tpu.memref_slice %arg4[%mul3A_0] : memref<160000xf32, #tpu.memory_space<hbm>> -> memref<10000xf32, #tpu.memory_space<hbm>>
      tpu.wait_dma2 semaphore(%run_scoped3A : memref<!tpu.dma_semaphore, #tpu.memory_space<semaphore_mem>>) src(%dma_wait3A_125 : memref<10000xf32, #tpu.memory_space<hbm>>) dst(%arg9 : memref<10000xf32, #tpu.memory_space<vmem>>)
      tpu.yield
    }) : () -> ()
    %broadcast_in_dim3A = arith.constant 0.000000e+00 : f32
    %broadcast_in_dim3A_2 = vector.broadcast %broadcast_in_dim3A : f32 to vector<16xf32>
    %parallel_loop3A = arith.constant 0 : i32
    %parallel_loop3A_3 = arith.constant 10000 : i32
    %parallel_loop3A_4 = arith.constant 16 : i32
    %parallel_loop3A_5 = scf.for %parallel_loop3A_124 = %parallel_loop3A to %parallel_loop3A_3 step %parallel_loop3A_4 iter_args(%parallel_loop3A_125 = %broadcast_in_dim3A_2) -> (vector<16xf32>)  : i32 {
      %parallel_loop3A_126 = arith.index_cast %parallel_loop3A_124 : i32 to index
      %parallel_loop3A_127 = tpu.vector_load %arg7[%parallel_loop3A_126] {strides = array<i32>} : memref<10000xi32, #tpu.memory_space<vmem>>, vector<16xi32>,
      %parallel_loop3A_128 = arith.constant 2 : i32
      %parallel_loop3A_129 = vector.broadcast %parallel_loop3A_128 : i32 to vector<16xi32>
      %parallel_loop3A_130 = arith.muli %parallel_loop3A_127, %parallel_loop3A_129 : vector<16xi32>
      %parallel_loop3A_131 = tpu.vector_load_idx %arg6[%parallel_loop3A_130] : memref<20000xf32, #tpu.memory_space<vmem>>[vector<16xi32>], vector<16xf32>,
      %parallel_loop3A_132 = arith.index_cast %parallel_loop3A_124 : i32 to index
      %parallel_loop3A_133 = tpu.vector_load %arg8[%parallel_loop3A_132] {strides = array<i32>} : memref<10000xi32, #tpu.memory_space<vmem>>, vector<16xi32>,
      %parallel_loop3A_134 = arith.constant 2 : i32
      %parallel_loop3A_135 = vector.broadcast %parallel_loop3A_134 : i32 to vector<16xi32>
      %parallel_loop3A_136 = arith.muli %parallel_loop3A_133, %parallel_loop3A_135 : vector<16xi32>
      %parallel_loop3A_137 = arith.constant 1 : i32
      %parallel_loop3A_138 = vector.broadcast %parallel_loop3A_137 : i32 to vector<16xi32>
      %parallel_loop3A_139 = arith.addi %parallel_loop3A_136, %parallel_loop3A_138 : vector<16xi32>
      %parallel_loop3A_140 = tpu.vector_load_idx %arg6[%parallel_loop3A_139] : memref<20000xf32, #tpu.memory_space<vmem>>[vector<16xi32>], vector<16xf32>,
      %parallel_loop3A_141 = arith.addf %parallel_loop3A_131, %parallel_loop3A_140 : vector<16xf32>
      %parallel_loop3A_142 = arith.index_cast %parallel_loop3A_124 : i32 to index
      %parallel_loop3A_143 = tpu.vector_load %arg9[%parallel_loop3A_142] {strides = array<i32>} : memref<10000xf32, #tpu.memory_space<vmem>>, vector<16xf32>,
      %parallel_loop3A_144 = arith.addf %parallel_loop3A_141, %parallel_loop3A_143 : vector<16xf32>
      %parallel_loop3A_145 = arith.constant 0.000000e+00 : f32
      %parallel_loop3A_146 = vector.broadcast %parallel_loop3A_145 : f32 to vector<16xf32>
      %parallel_loop3A_147 = arith.maximumf %parallel_loop3A_144, %parallel_loop3A_146 : vector<16xf32>
      %parallel_loop3A_148 = arith.index_cast %parallel_loop3A_124 : i32 to index
      %parallel_loop3A_149 = tpu.vector_load %arg10[%parallel_loop3A_148] {strides = array<i32>} : memref<10000xf32, #tpu.memory_space<vmem>>, vector<16xf32>,
      tpu.vector_store %arg10[%parallel_loop3A_148], %parallel_loop3A_147 {strides = array<i32>} : memref<10000xf32, #tpu.memory_space<vmem>>, vector<16xf32>,
      %parallel_loop3A_150 = arith.maximumf %parallel_loop3A_125, %parallel_loop3A_147 : vector<16xf32>
      scf.yield %parallel_loop3A_150 : vector<16xf32>
    } {sc.loop_unroll_factor = 8 : i64, sc.parallel_access}
    %swap3A = arith.constant 0 : index
    %swap3A_6 = tpu.vector_load %arg12[%swap3A] {strides = array<i32>} : memref<16xf32, #tpu.memory_space<vmem>>, vector<16xf32>,
    tpu.vector_store %arg12[%swap3A], %parallel_loop3A_5 {strides = array<i32>} : memref<16xf32, #tpu.memory_space<vmem>>, vector<16xf32>,
    %mul3A_7 = arith.constant 16 : i32
    %mul3A_8 = arith.muli %arg1, %mul3A_7 : i32
    "tpu.region"() ({
      %run_scoped3A = tpu.sem_alloc : memref<!tpu.dma_semaphore, #tpu.memory_space<semaphore_mem>>
      %dma_start3A = tpu.memref_slice %arg13[%mul3A_8] : memref<256xf32, #tpu.memory_space<vmem_shared>> -> memref<16xf32, #tpu.memory_space<vmem_shared>>
      %dma_start3A_124 = tpu.memref_slice %arg13[%mul3A_8] : memref<256xf32, #tpu.memory_space<vmem_shared>> -> memref<16xf32, #tpu.memory_space<vmem_shared>>
      tpu.enqueue_dma source(%arg12 : memref<16xf32, #tpu.memory_space<vmem>>) target(%dma_start3A_124 : memref<16xf32, #tpu.memory_space<vmem_shared>>) target_semaphore(%run_scoped3A : memref<!tpu.dma_semaphore, #tpu.memory_space<semaphore_mem>>)
      %dma_wait3A = tpu.memref_slice %arg13[%mul3A_8] : memref<256xf32, #tpu.memory_space<vmem_shared>> -> memref<16xf32, #tpu.memory_space<vmem_shared>>
      %dma_wait3A_125 = tpu.memref_slice %arg13[%mul3A_8] : memref<256xf32, #tpu.memory_space<vmem_shared>> -> memref<16xf32, #tpu.memory_space<vmem_shared>>
      tpu.wait_dma2 semaphore(%run_scoped3A : memref<!tpu.dma_semaphore, #tpu.memory_space<semaphore_mem>>) src(%arg12 : memref<16xf32, #tpu.memory_space<vmem>>) dst(%dma_wait3A_125 : memref<16xf32, #tpu.memory_space<vmem_shared>>)
      tpu.yield
    }) : () -> ()
    %barrier3A = arith.constant 0 : index
    tpu.barrier barrier_id(%barrier3A)
    "tpu.region"() ({
      %run_scoped3A = tpu.sem_alloc : memref<!tpu.dma_semaphore, #tpu.memory_space<semaphore_mem>>
      tpu.enqueue_dma source(%arg13 : memref<256xf32, #tpu.memory_space<vmem_shared>>) target(%arg11 : memref<256xf32, #tpu.memory_space<vmem>>) target_semaphore(%run_scoped3A : memref<!tpu.dma_semaphore, #tpu.memory_space<semaphore_mem>>)
      tpu.wait_dma2 semaphore(%run_scoped3A : memref<!tpu.dma_semaphore, #tpu.memory_space<semaphore_mem>>) src(%arg13 : memref<256xf32, #tpu.memory_space<vmem_shared>>) dst(%arg11 : memref<256xf32, #tpu.memory_space<vmem>>)
      tpu.yield
    }) : () -> ()
    %get3A = arith.constant 0 : index
    %get3A_9 = tpu.vector_load %arg11[%get3A] {strides = array<i32>} : memref<256xf32, #tpu.memory_space<vmem>>, vector<16xf32>,
    %get3A_10 = arith.constant 16 : index
    %get3A_11 = tpu.vector_load %arg11[%get3A_10] {strides = array<i32>} : memref<256xf32, #tpu.memory_space<vmem>>, vector<16xf32>,
    %max3A = arith.maximumf %get3A_9, %get3A_11 : vector<16xf32>
    %get3A_12 = arith.constant 32 : index
    %get3A_13 = tpu.vector_load %arg11[%get3A_12] {strides = array<i32>} : memref<256xf32, #tpu.memory_space<vmem>>, vector<16xf32>,
    %max3A_14 = arith.maximumf %max3A, %get3A_13 : vector<16xf32>
    %get3A_15 = arith.constant 48 : index
    %get3A_16 = tpu.vector_load %arg11[%get3A_15] {strides = array<i32>} : memref<256xf32, #tpu.memory_space<vmem>>, vector<16xf32>,
    %max3A_17 = arith.maximumf %max3A_14, %get3A_16 : vector<16xf32>
    %get3A_18 = arith.constant 64 : index
    %get3A_19 = tpu.vector_load %arg11[%get3A_18] {strides = array<i32>} : memref<256xf32, #tpu.memory_space<vmem>>, vector<16xf32>,
    %max3A_20 = arith.maximumf %max3A_17, %get3A_19 : vector<16xf32>
    %get3A_21 = arith.constant 80 : index
    %get3A_22 = tpu.vector_load %arg11[%get3A_21] {strides = array<i32>} : memref<256xf32, #tpu.memory_space<vmem>>, vector<16xf32>,
    %max3A_23 = arith.maximumf %max3A_20, %get3A_22 : vector<16xf32>
    %get3A_24 = arith.constant 96 : index
    %get3A_25 = tpu.vector_load %arg11[%get3A_24] {strides = array<i32>} : memref<256xf32, #tpu.memory_space<vmem>>, vector<16xf32>,
    %max3A_26 = arith.maximumf %max3A_23, %get3A_25 : vector<16xf32>
    %get3A_27 = arith.constant 112 : index
    %get3A_28 = tpu.vector_load %arg11[%get3A_27] {strides = array<i32>} : memref<256xf32, #tpu.memory_space<vmem>>, vector<16xf32>,
    %max3A_29 = arith.maximumf %max3A_26, %get3A_28 : vector<16xf32>
    %get3A_30 = arith.constant 128 : index
    %get3A_31 = tpu.vector_load %arg11[%get3A_30] {strides = array<i32>} : memref<256xf32, #tpu.memory_space<vmem>>, vector<16xf32>,
    %max3A_32 = arith.maximumf %max3A_29, %get3A_31 : vector<16xf32>
    %get3A_33 = arith.constant 144 : index
    %get3A_34 = tpu.vector_load %arg11[%get3A_33] {strides = array<i32>} : memref<256xf32, #tpu.memory_space<vmem>>, vector<16xf32>,
    %max3A_35 = arith.maximumf %max3A_32, %get3A_34 : vector<16xf32>
    %get3A_36 = arith.constant 160 : index
    %get3A_37 = tpu.vector_load %arg11[%get3A_36] {strides = array<i32>} : memref<256xf32, #tpu.memory_space<vmem>>, vector<16xf32>,
    %max3A_38 = arith.maximumf %max3A_35, %get3A_37 : vector<16xf32>
    %get3A_39 = arith.constant 176 : index
    %get3A_40 = tpu.vector_load %arg11[%get3A_39] {strides = array<i32>} : memref<256xf32, #tpu.memory_space<vmem>>, vector<16xf32>,
    %max3A_41 = arith.maximumf %max3A_38, %get3A_40 : vector<16xf32>
    %get3A_42 = arith.constant 192 : index
    %get3A_43 = tpu.vector_load %arg11[%get3A_42] {strides = array<i32>} : memref<256xf32, #tpu.memory_space<vmem>>, vector<16xf32>,
    %max3A_44 = arith.maximumf %max3A_41, %get3A_43 : vector<16xf32>
    %get3A_45 = arith.constant 208 : index
    %get3A_46 = tpu.vector_load %arg11[%get3A_45] {strides = array<i32>} : memref<256xf32, #tpu.memory_space<vmem>>, vector<16xf32>,
    %max3A_47 = arith.maximumf %max3A_44, %get3A_46 : vector<16xf32>
    %get3A_48 = arith.constant 224 : index
    %get3A_49 = tpu.vector_load %arg11[%get3A_48] {strides = array<i32>} : memref<256xf32, #tpu.memory_space<vmem>>, vector<16xf32>,
    %max3A_50 = arith.maximumf %max3A_47, %get3A_49 : vector<16xf32>
    %get3A_51 = arith.constant 240 : index
    %get3A_52 = tpu.vector_load %arg11[%get3A_51] {strides = array<i32>} : memref<256xf32, #tpu.memory_space<vmem>>, vector<16xf32>,
    %max3A_53 = arith.maximumf %max3A_50, %get3A_52 : vector<16xf32>
    %reduce_max3A = arith.constant true
    %reduce_max3A_54 = vector.broadcast %reduce_max3A : i1 to vector<16xi1>
    %reduce_max3A_55 = tpu.scan <max>, %max3A_53 masked %reduce_max3A_54 : vector<16xf32>, vector<16xi1> -> vector<16xf32>
    %reduce_max3A_56 = vector.extract %reduce_max3A_55[15] : f32 from vector<16xf32>
    %broadcast_in_dim3A_57 = arith.constant 0.000000e+00 : f32
    %broadcast_in_dim3A_58 = vector.broadcast %broadcast_in_dim3A_57 : f32 to vector<16xf32>
    %parallel_loop3A_59 = arith.constant 0 : i32
    %parallel_loop3A_60 = arith.constant 10000 : i32
    %parallel_loop3A_61 = arith.constant 16 : i32
    %parallel_loop3A_62 = scf.for %parallel_loop3A_124 = %parallel_loop3A_59 to %parallel_loop3A_60 step %parallel_loop3A_61 iter_args(%parallel_loop3A_125 = %broadcast_in_dim3A_58) -> (vector<16xf32>)  : i32 {
      %parallel_loop3A_126 = arith.index_cast %parallel_loop3A_124 : i32 to index
      %parallel_loop3A_127 = tpu.vector_load %arg10[%parallel_loop3A_126] {strides = array<i32>} : memref<10000xf32, #tpu.memory_space<vmem>>, vector<16xf32>,
      %parallel_loop3A_128 = vector.broadcast %reduce_max3A_56 : f32 to vector<16xf32>
      %parallel_loop3A_129 = arith.subf %parallel_loop3A_127, %parallel_loop3A_128 : vector<16xf32>
      %parallel_loop3A_130 = math.exp %parallel_loop3A_129 : vector<16xf32>
      %parallel_loop3A_131 = arith.index_cast %parallel_loop3A_124 : i32 to index
      %parallel_loop3A_132 = tpu.vector_load %arg10[%parallel_loop3A_131] {strides = array<i32>} : memref<10000xf32, #tpu.memory_space<vmem>>, vector<16xf32>,
      tpu.vector_store %arg10[%parallel_loop3A_131], %parallel_loop3A_130 {strides = array<i32>} : memref<10000xf32, #tpu.memory_space<vmem>>, vector<16xf32>,
      %parallel_loop3A_133 = arith.addf %parallel_loop3A_125, %parallel_loop3A_130 : vector<16xf32>
      scf.yield %parallel_loop3A_133 : vector<16xf32>
    } {sc.loop_unroll_factor = 8 : i64, sc.parallel_access}
    %swap3A_63 = arith.constant 0 : index
    %swap3A_64 = tpu.vector_load %arg12[%swap3A_63] {strides = array<i32>} : memref<16xf32, #tpu.memory_space<vmem>>, vector<16xf32>,
    tpu.vector_store %arg12[%swap3A_63], %parallel_loop3A_62 {strides = array<i32>} : memref<16xf32, #tpu.memory_space<vmem>>, vector<16xf32>,
    %mul3A_65 = arith.constant 16 : i32
    %mul3A_66 = arith.muli %arg1, %mul3A_65 : i32
    "tpu.region"() ({
      %run_scoped3A = tpu.sem_alloc : memref<!tpu.dma_semaphore, #tpu.memory_space<semaphore_mem>>
      %dma_start3A = tpu.memref_slice %arg14[%mul3A_66] : memref<256xf32, #tpu.memory_space<vmem_shared>> -> memref<16xf32, #tpu.memory_space<vmem_shared>>
      %dma_start3A_124 = tpu.memref_slice %arg14[%mul3A_66] : memref<256xf32, #tpu.memory_space<vmem_shared>> -> memref<16xf32, #tpu.memory_space<vmem_shared>>
      tpu.enqueue_dma source(%arg12 : memref<16xf32, #tpu.memory_space<vmem>>) target(%dma_start3A_124 : memref<16xf32, #tpu.memory_space<vmem_shared>>) target_semaphore(%run_scoped3A : memref<!tpu.dma_semaphore, #tpu.memory_space<semaphore_mem>>)
      %dma_wait3A = tpu.memref_slice %arg14[%mul3A_66] : memref<256xf32, #tpu.memory_space<vmem_shared>> -> memref<16xf32, #tpu.memory_space<vmem_shared>>
      %dma_wait3A_125 = tpu.memref_slice %arg14[%mul3A_66] : memref<256xf32, #tpu.memory_space<vmem_shared>> -> memref<16xf32, #tpu.memory_space<vmem_shared>>
      tpu.wait_dma2 semaphore(%run_scoped3A : memref<!tpu.dma_semaphore, #tpu.memory_space<semaphore_mem>>) src(%arg12 : memref<16xf32, #tpu.memory_space<vmem>>) dst(%dma_wait3A_125 : memref<16xf32, #tpu.memory_space<vmem_shared>>)
      tpu.yield
    }) : () -> ()
    %barrier3A_67 = arith.constant 0 : index
    tpu.barrier barrier_id(%barrier3A_67)
    "tpu.region"() ({
      %run_scoped3A = tpu.sem_alloc : memref<!tpu.dma_semaphore, #tpu.memory_space<semaphore_mem>>
      tpu.enqueue_dma source(%arg14 : memref<256xf32, #tpu.memory_space<vmem_shared>>) target(%arg11 : memref<256xf32, #tpu.memory_space<vmem>>) target_semaphore(%run_scoped3A : memref<!tpu.dma_semaphore, #tpu.memory_space<semaphore_mem>>)
      tpu.wait_dma2 semaphore(%run_scoped3A : memref<!tpu.dma_semaphore, #tpu.memory_space<semaphore_mem>>) src(%arg14 : memref<256xf32, #tpu.memory_space<vmem_shared>>) dst(%arg11 : memref<256xf32, #tpu.memory_space<vmem>>)
      tpu.yield
    }) : () -> ()
    %get3A_68 = arith.constant 0 : index
    %get3A_69 = tpu.vector_load %arg11[%get3A_68] {strides = array<i32>} : memref<256xf32, #tpu.memory_space<vmem>>, vector<16xf32>,
    %get3A_70 = arith.constant 16 : index
    %get3A_71 = tpu.vector_load %arg11[%get3A_70] {strides = array<i32>} : memref<256xf32, #tpu.memory_space<vmem>>, vector<16xf32>,
    %add3A_72 = arith.addf %get3A_69, %get3A_71 : vector<16xf32>
    %get3A_73 = arith.constant 32 : index
    %get3A_74 = tpu.vector_load %arg11[%get3A_73] {strides = array<i32>} : memref<256xf32, #tpu.memory_space<vmem>>, vector<16xf32>,
    %add3A_75 = arith.addf %add3A_72, %get3A_74 : vector<16xf32>
    %get3A_76 = arith.constant 48 : index
    %get3A_77 = tpu.vector_load %arg11[%get3A_76] {strides = array<i32>} : memref<256xf32, #tpu.memory_space<vmem>>, vector<16xf32>,
    %add3A_78 = arith.addf %add3A_75, %get3A_77 : vector<16xf32>
    %get3A_79 = arith.constant 64 : index
    %get3A_80 = tpu.vector_load %arg11[%get3A_79] {strides = array<i32>} : memref<256xf32, #tpu.memory_space<vmem>>, vector<16xf32>,
    %add3A_81 = arith.addf %add3A_78, %get3A_80 : vector<16xf32>
    %get3A_82 = arith.constant 80 : index
    %get3A_83 = tpu.vector_load %arg11[%get3A_82] {strides = array<i32>} : memref<256xf32, #tpu.memory_space<vmem>>, vector<16xf32>,
    %add3A_84 = arith.addf %add3A_81, %get3A_83 : vector<16xf32>
    %get3A_85 = arith.constant 96 : index
    %get3A_86 = tpu.vector_load %arg11[%get3A_85] {strides = array<i32>} : memref<256xf32, #tpu.memory_space<vmem>>, vector<16xf32>,
    %add3A_87 = arith.addf %add3A_84, %get3A_86 : vector<16xf32>
    %get3A_88 = arith.constant 112 : index
    %get3A_89 = tpu.vector_load %arg11[%get3A_88] {strides = array<i32>} : memref<256xf32, #tpu.memory_space<vmem>>, vector<16xf32>,
    %add3A_90 = arith.addf %add3A_87, %get3A_89 : vector<16xf32>
    %get3A_91 = arith.constant 128 : index
    %get3A_92 = tpu.vector_load %arg11[%get3A_91] {strides = array<i32>} : memref<256xf32, #tpu.memory_space<vmem>>, vector<16xf32>,
    %add3A_93 = arith.addf %add3A_90, %get3A_92 : vector<16xf32>
    %get3A_94 = arith.constant 144 : index
    %get3A_95 = tpu.vector_load %arg11[%get3A_94] {strides = array<i32>} : memref<256xf32, #tpu.memory_space<vmem>>, vector<16xf32>,
    %add3A_96 = arith.addf %add3A_93, %get3A_95 : vector<16xf32>
    %get3A_97 = arith.constant 160 : index
    %get3A_98 = tpu.vector_load %arg11[%get3A_97] {strides = array<i32>} : memref<256xf32, #tpu.memory_space<vmem>>, vector<16xf32>,
    %add3A_99 = arith.addf %add3A_96, %get3A_98 : vector<16xf32>
    %get3A_100 = arith.constant 176 : index
    %get3A_101 = tpu.vector_load %arg11[%get3A_100] {strides = array<i32>} : memref<256xf32, #tpu.memory_space<vmem>>, vector<16xf32>,
    %add3A_102 = arith.addf %add3A_99, %get3A_101 : vector<16xf32>
    %get3A_103 = arith.constant 192 : index
    %get3A_104 = tpu.vector_load %arg11[%get3A_103] {strides = array<i32>} : memref<256xf32, #tpu.memory_space<vmem>>, vector<16xf32>,
    %add3A_105 = arith.addf %add3A_102, %get3A_104 : vector<16xf32>
    %get3A_106 = arith.constant 208 : index
    %get3A_107 = tpu.vector_load %arg11[%get3A_106] {strides = array<i32>} : memref<256xf32, #tpu.memory_space<vmem>>, vector<16xf32>,
    %add3A_108 = arith.addf %add3A_105, %get3A_107 : vector<16xf32>
    %get3A_109 = arith.constant 224 : index
    %get3A_110 = tpu.vector_load %arg11[%get3A_109] {strides = array<i32>} : memref<256xf32, #tpu.memory_space<vmem>>, vector<16xf32>,
    %add3A_111 = arith.addf %add3A_108, %get3A_110 : vector<16xf32>
    %get3A_112 = arith.constant 240 : index
    %get3A_113 = tpu.vector_load %arg11[%get3A_112] {strides = array<i32>} : memref<256xf32, #tpu.memory_space<vmem>>, vector<16xf32>,
    %add3A_114 = arith.addf %add3A_111, %get3A_113 : vector<16xf32>
    %broadcast_in_dim3A_115 = arith.constant 1.000000e+00 : f32
    %broadcast_in_dim3A_116 = vector.broadcast %broadcast_in_dim3A_115 : f32 to vector<16xf32>
    %reduce_sum3A = arith.constant true
    %reduce_sum3A_117 = vector.broadcast %reduce_sum3A : i1 to vector<16xi1>
    %reduce_sum3A_118 = tpu.scan <sum>, %add3A_114 masked %reduce_sum3A_117 : vector<16xf32>, vector<16xi1> -> vector<16xf32>
    %reduce_sum3A_119 = vector.extract %reduce_sum3A_118[15] : f32 from vector<16xf32>
    %broadcast_in_dim3A_120 = vector.broadcast %reduce_sum3A_119 : f32 to vector<16xf32>
    %div3A = arith.divf %broadcast_in_dim3A_116, %broadcast_in_dim3A_120 : vector<16xf32>
    %parallel_loop3A_121 = arith.constant 0 : i32
    %parallel_loop3A_122 = arith.constant 10000 : i32
    %parallel_loop3A_123 = arith.constant 16 : i32
    scf.for %parallel_loop3A_124 = %parallel_loop3A_121 to %parallel_loop3A_122 step %parallel_loop3A_123  : i32 {
      %parallel_loop3A_125 = arith.index_cast %parallel_loop3A_124 : i32 to index
      %parallel_loop3A_126 = tpu.vector_load %arg10[%parallel_loop3A_125] {strides = array<i32>} : memref<10000xf32, #tpu.memory_space<vmem>>, vector<16xf32>,
      %parallel_loop3A_127 = arith.mulf %parallel_loop3A_126, %div3A : vector<16xf32>
      %parallel_loop3A_128 = arith.index_cast %parallel_loop3A_124 : i32 to index
      %parallel_loop3A_129 = tpu.vector_load %arg10[%parallel_loop3A_128] {strides = array<i32>} : memref<10000xf32, #tpu.memory_space<vmem>>, vector<16xf32>,
      tpu.vector_store %arg10[%parallel_loop3A_128], %parallel_loop3A_127 {strides = array<i32>} : memref<10000xf32, #tpu.memory_space<vmem>>, vector<16xf32>,
    } {sc.loop_unroll_factor = 8 : i64, sc.parallel_access}
    "tpu.region"() ({
      %run_scoped3A = tpu.sem_alloc : memref<!tpu.dma_semaphore, #tpu.memory_space<semaphore_mem>>
      %dma_start3A = tpu.memref_slice %arg5[%mul3A_0] : memref<160000xf32, #tpu.memory_space<hbm>> -> memref<10000xf32, #tpu.memory_space<hbm>>
      %dma_start3A_124 = tpu.memref_slice %arg5[%mul3A_0] : memref<160000xf32, #tpu.memory_space<hbm>> -> memref<10000xf32, #tpu.memory_space<hbm>>
      tpu.enqueue_dma source(%arg10 : memref<10000xf32, #tpu.memory_space<vmem>>) target(%dma_start3A_124 : memref<10000xf32, #tpu.memory_space<hbm>>) target_semaphore(%run_scoped3A : memref<!tpu.dma_semaphore, #tpu.memory_space<semaphore_mem>>)
      %dma_wait3A = tpu.memref_slice %arg5[%mul3A_0] : memref<160000xf32, #tpu.memory_space<hbm>> -> memref<10000xf32, #tpu.memory_space<hbm>>
      %dma_wait3A_125 = tpu.memref_slice %arg5[%mul3A_0] : memref<160000xf32, #tpu.memory_space<hbm>> -> memref<10000xf32, #tpu.memory_space<hbm>>
      tpu.wait_dma2 semaphore(%run_scoped3A : memref<!tpu.dma_semaphore, #tpu.memory_space<semaphore_mem>>) src(%arg10 : memref<10000xf32, #tpu.memory_space<vmem>>) dst(%dma_wait3A_125 : memref<10000xf32, #tpu.memory_space<hbm>>)
      tpu.yield
    }) : () -> ()
    return
  }
}

module attributes {stable_mosaic.version = 14 : i64} {
  func.func @_tc_scores_body(%arg0: i32, %arg1: memref<2000x256xf32, #tpu.memory_space<vmem>>, %arg2: memref<256x2xf32, #tpu.memory_space<vmem>>, %arg3: memref<16x32768xf32, #tpu.memory_space<vmem>>, %arg4: memref<16x1xf32, #tpu.memory_space<vmem>>, %arg5: memref<1xf32, #tpu.memory_space<smem>>, %arg6: memref<2000x2xf32, #tpu.memory_space<vmem>>, %arg7: memref<32768xf32, #tpu.memory_space<vmem>>) attributes {dimension_semantics = [#tpu.dimension_semantics<arbitrary>], iteration_bounds = array<i64: 5>, scalar_prefetch = 0 : i64, scratch_operands = 0 : i64, tpu.core_type = #tpu.core_type<tc>, window_params = [{transform_indices = @transform_0, window_bounds = array<i64: 2000, 256>}, {pipeline_mode = #tpu.pipeline_mode<synchronous>, transform_indices = @transform_1, window_bounds = array<i64: 256, 2>}, {transform_indices = @transform_2, window_bounds = array<i64: 16, 32768>}, {pipeline_mode = #tpu.pipeline_mode<synchronous>, transform_indices = @transform_3, window_bounds = array<i64: 16, 1>}, {transform_indices = @transform_4, window_bounds = array<i64: 1>}, {transform_indices = @transform_5, window_bounds = array<i64: 2000, 2>}, {transform_indices = @transform_6, window_bounds = array<i64: 32768>}]} {
    %get3A = arith.constant 0 : index
    %get3A_0 = arith.constant 0 : index
    %get3A_1 = vector.load %arg1[%get3A, %get3A_0] : memref<2000x256xf32, #tpu.memory_space<vmem>>, vector<2000x256xf32>
    %get3A_2 = arith.constant 0 : index
    %get3A_3 = arith.constant 0 : index
    %get3A_4 = vector.load %arg2[%get3A_2, %get3A_3] : memref<256x2xf32, #tpu.memory_space<vmem>>, vector<256x2xf32>
    %dot_general3A = arith.constant dense<0.000000e+00> : vector<2000x2xf32>
    %dot_general3A_5 = tpu.matmul %get3A_1, %get3A_4, %dot_general3A {dimension_numbers = #tpu.dot_dimension_numbers<[1], [0], [0], [1], [0, 0, 1, 1], [], []>, transpose_lhs_hint = false} : vector<2000x256xf32>, vector<256x2xf32>, vector<2000x2xf32> -> vector<2000x2xf32>
    %swap3A = arith.constant 0 : index
    %swap3A_6 = arith.constant 0 : index
    %swap3A_7 = vector.load %arg6[%swap3A, %swap3A_6] : memref<2000x2xf32, #tpu.memory_space<vmem>>, vector<2000x2xf32>
    tpu.vector_store %arg6[%swap3A, %swap3A_6], %dot_general3A_5 {strides = array<i32>} : memref<2000x2xf32, #tpu.memory_space<vmem>>, vector<2000x2xf32>,
    %get3A_8 = arith.constant 0 : index
    %get3A_9 = arith.constant 0 : index
    %get3A_10 = vector.load %arg3[%get3A_8, %get3A_9] : memref<16x32768xf32, #tpu.memory_space<vmem>>, vector<16x32768xf32>
    %get3A_11 = arith.constant 0 : index
    %get3A_12 = arith.constant 0 : index
    %get3A_13 = vector.load %arg4[%get3A_11, %get3A_12] : memref<16x1xf32, #tpu.memory_space<vmem>>, vector<16x1xf32>
    %mul3A = vector.broadcast %get3A_13 : vector<16x1xf32> to vector<16x32768xf32>
    %mul3A_14 = arith.mulf %get3A_10, %mul3A : vector<16x32768xf32>
    %reduce_sum3A = arith.constant dense<0.000000e+00> : vector<32768xf32>
    %reduce_sum3A_15 = vector.multi_reduction <add>, %mul3A_14, %reduce_sum3A [0] : vector<16x32768xf32> to vector<32768xf32>
    %get3A_16 = arith.constant 0 : index
    %get3A_17 = memref.load %arg5[%get3A_16] : memref<1xf32, #tpu.memory_space<smem>>
    %add3A = vector.broadcast %get3A_17 : f32 to vector<32768xf32>
    %add3A_18 = arith.addf %reduce_sum3A_15, %add3A : vector<32768xf32>
    %swap3A_19 = arith.constant 0 : index
    %swap3A_20 = vector.load %arg7[%swap3A_19] : memref<32768xf32, #tpu.memory_space<vmem>>, vector<32768xf32>
    tpu.vector_store %arg7[%swap3A_19], %add3A_18 {strides = array<i32>} : memref<32768xf32, #tpu.memory_space<vmem>>, vector<32768xf32>,
    return
  }
  func.func @transform_0(%arg0: i32) -> (i32, i32) {
    %c0_i32 = arith.constant 0 : i32
    %c0_i32_0 = arith.constant 0 : i32
    return %arg0, %c0_i32 : i32, i32
  }
  func.func @transform_1(%arg0: i32) -> (i32, i32) {
    %c0_i32 = arith.constant 0 : i32
    %c0_i32_0 = arith.constant 0 : i32
    %c0_i32_1 = arith.constant 0 : i32
    return %c0_i32, %c0_i32_0 : i32, i32
  }
  func.func @transform_2(%arg0: i32) -> (i32, i32) {
    %c0_i32 = arith.constant 0 : i32
    %c0_i32_0 = arith.constant 0 : i32
    return %c0_i32, %arg0 : i32, i32
  }
  func.func @transform_3(%arg0: i32) -> (i32, i32) {
    %c0_i32 = arith.constant 0 : i32
    %c0_i32_0 = arith.constant 0 : i32
    %c0_i32_1 = arith.constant 0 : i32
    return %c0_i32, %c0_i32_0 : i32, i32
  }
  func.func @transform_4(%arg0: i32) -> i32 {
    %c0_i32 = arith.constant 0 : i32
    %c0_i32_0 = arith.constant 0 : i32
    return %c0_i32 : i32
  }
  func.func @transform_5(%arg0: i32) -> (i32, i32) {
    %c0_i32 = arith.constant 0 : i32
    %c0_i32_0 = arith.constant 0 : i32
    return %arg0, %c0_i32 : i32, i32
  }
  func.func @transform_6(%arg0: i32) -> i32 {
    %c0_i32 = arith.constant 0 : i32
    return %arg0 : i32
  }
}

</mosaic_0001>

<sc_bundles>
// kernel: kernel.4.cloned.1.call-start
scs
__scs_entry_jumppad:
0x0: {  	(pc) =	sbr.rel $0x88, $3  }
0x1: {  	(tag) =	ssettag $0x0;
	lr =	simm.s32 $0x1  }
0x2: {  	[smem:$0x3F9C] =	sst lr;
	_ =	strace $0xD0000000  }
0x3: {  	_ = 	snop  }
0x4: {  	_ = 	snop  }
0x5: {  	_ = 	snop  }
0x6: {  	_ = 	snop  }
0x7: {  	_ = 	snop  }
__scs_overlays_trampoline_lowered:
0x8: {  	[smem:$0x3FAB] =	sst s0  }
0x9: {  	[smem:$0x3FAC] =	sst s1  }
0xa: {  	[smem:$0x3FAD] =	sst s2  }
0xb: {  	[smem:$0x3FAE] =	sst s3  }
0xc: {  	[smem:$0x3FAF] =	sst s4  }
0xd: {  	[smem:$0x3FB0] =	sst s5  }
0xe: {  	[smem:$0x3FB1] =	sst s6  }
0xf: {  	[smem:$0x3FB2] =	sst s7  }
0x10: {  	[smem:$0x3FB3] =	sst s8  }
0x11: {  	[smem:$0x3FB4] =	sst s9;
	s0 =	simm.s32 @!p0 $0x0  }
0x12: {  	s1 =	sld [smem:$0x3F9A];
	s0 =	simm.s32 @p0 $0x1  }
0x13: {  	[smem:$0x3FB5] =	sst s0;
	s0 =	simm.s32 @!p1 $0x0  }
0x14: {  	s2 =	sld [smem:$0x3F99];
	s0 =	simm.s32 @p1 $0x1  }
0x15: {  	[smem:$0x3FB6] =	sst s0;
	s0 =	simm.s32 @!p2 $0x0  }
0x16: {  	s3 =	sld [smem:$0x3FDB];
	s0 =	simm.s32 @p2 $0x1  }
0x17: {  	s4 =	simm.s32 $0x1BF5;
	[smem:$0x3FB8] =	sst s0  }
0x18: {  	s0 =	sld [smem:$0x3F9B];
	_ =	swait.ge [sflag:s4], $0x0  }
0x19: {  	s7 =	sld [smem:$0x3F9C]  }
0x1a: {  	s8 =	sadd.s32 $0xFFFFE003, lr  }
0x1b: {  	s9 =	sadd.s32 $0xFFFFFEF7, lr;
	s5 =	simm.s32 $0xFFFFFFFF;
	p2 =	slt.u32 s8, $0xFFFFF086  }
0x1c: {  	p1 =	slt.u32 s9, $0xF7A;
	s5 =	simm.s32 @!p2 $0x0  }
0x1d: {  	s5 =	simm.s32 @p1 $0x1;
	p0 =	seq.s32 s7, s2  }
0x1e: {  	s7 =	smul.u32 @!p0 $0xF7A, s2;
	p2 =	seq.s32 @!p0 s5, $0x0  }
0x1f: {  	s9 =	smul.u32 $0xF7A, s1;
	s8 =	simm.s32 @!p0 $0x1BF5;
	p2 =	por !p2, p0  }
0x20: {  	[sflag:s8] =	ssyncset.s32 @!p0 $0xFFFFF086;
	s6 =	sadd.s32 @!p0 s3, s7;
	s7 =	simm.s32 @!p0 $0x108  }
0x21: {  	s3 =	sadd.s32 s3, s9;
	s6 =	sadd.s32 @!p0 $0x88, s6;
	s7 =	simm.s32 @p2 $0x1082  }
0x22: {  	[simem:s7], [sflag:s8] =	dma.local @!p0 [hbm:s6], $0xF7A  }
0x23: {  	s9 =	sor.u32 $0xD0000000, s2;
	s6 =	simm.s32 $0x108;
	_ =	swait.ge @!p0 [sflag:s8], $0x0  }
0x24: {  	s3 =	sadd.s32 $0x88, s3;
	s6 =	simm.s32 @!p1 $0x1082;
	[sflag:s4] =	ssyncset.s32 $0xFFFFF086  }
0x25: {  	[simem:s6], [sflag:s4] =	dma.local [hbm:s3], $0xF7A  }
0x26: {  	[smem:$0x3F9C] =	sst s1;
	(tag) =	ssettag s2;
	_ =	strace s9  }
0x27: {  	s1 =	sld [smem:$0x3FAC]  }
0x28: {  	s2 =	sld [smem:$0x3FAD]  }
0x29: {  	s4 =	sld [smem:$0x3FAF]  }
0x2a: {  	p0 =	seq.s32 s5, $0x0;
	s5 =	sld [smem:$0x3FB0]  }
0x2b: {  	s6 =	sld [smem:$0x3FB1]  }
0x2c: {  	s7 =	sld [smem:$0x3FB2]  }
0x2d: {  	s3 =	simm.s32 $0x108;
	s8 =	sld [smem:$0x3FB3]  }
0x2e: {  	s3 =	simm.s32 @!p0 $0x1082;
	s9 =	sld [smem:$0x3FB4]  }
0x2f: {  	lr =	sadd.s32 s0, s3;
	s0 =	sld [smem:$0x3FAB]  }
0x30: {  	s3 =	sld [smem:$0x3FAE]  }
0x31: {  	[smem:$0x3FB7] =	sst s10  }
0x32: {  	s10 =	sld [smem:$0x3FB5];
	_ =	sdelay $0x3  }
0x33: {  	p0 =	seq.s32 s10, $0x1;
	s10 =	sld [smem:$0x3FB7];
	_ =	sdelay $0x3  }
0x34: {  	[smem:$0x3FB7] =	sst s10  }
0x35: {  	s10 =	sld [smem:$0x3FB6];
	_ =	sdelay $0x3  }
0x36: {  	p1 =	seq.s32 s10, $0x1;
	s10 =	sld [smem:$0x3FB7];
	_ =	sdelay $0x3  }
0x37: {  	[smem:$0x3FB7] =	sst s10  }
0x38: {  	s10 =	sld [smem:$0x3FB8]  }
0x39: {  	_ = 	snop;
	(pc) =	sbr.ind lr, $3  }
0x3a: {  	_ = 	snop  }
0x3b: {  	_ = 	snop  }
0x3c: {  	p2 =	seq.s32 s10, $0x1;
	s10 =	sld [smem:$0x3FB7]  }
0x3d: {  	_ =	shalt  }
0x3e: {  	_ =	shalt  }
0x3f: {  	_ =	shalt  }
0x40: {  	_ =	shalt  }
0x41: {  	_ =	shalt  }
0x42: {  	_ =	shalt  }
0x43: {  	_ =	shalt  }
0x44: {  	_ =	shalt  }
0x45: {  	_ =	shalt  }
0x46: {  	_ =	shalt  }
0x47: {  	_ =	shalt  }
0x48: {  	_ =	shalt  }
0x49: {  	_ =	shalt  }
0x4a: {  	_ =	shalt  }
0x4b: {  	_ =	shalt  }
0x4c: {  	_ =	shalt  }
0x4d: {  	_ =	shalt  }
0x4e: {  	_ =	shalt  }
0x4f: {  	_ =	shalt  }
0x50: {  	_ =	shalt  }
0x51: {  	_ =	shalt  }
0x52: {  	_ =	shalt  }
0x53: {  	_ =	shalt  }
0x54: {  	_ =	shalt  }
0x55: {  	_ =	shalt  }
0x56: {  	_ =	shalt  }
0x57: {  	_ =	shalt  }
0x58: {  	_ =	shalt  }
0x59: {  	_ =	shalt  }
0x5a: {  	_ =	shalt  }
0x5b: {  	_ =	shalt  }
0x5c: {  	_ =	shalt  }
0x5d: {  	_ =	shalt  }
0x5e: {  	_ =	shalt  }
0x5f: {  	_ =	shalt  }
0x60: {  	_ =	shalt  }
0x61: {  	_ =	shalt  }
0x62: {  	_ =	shalt  }
0x63: {  	_ =	shalt  }
0x64: {  	_ =	shalt  }
0x65: {  	_ =	shalt  }
0x66: {  	_ =	shalt  }
0x67: {  	_ =	shalt  }
0x68: {  	_ =	shalt  }
0x69: {  	_ =	shalt  }
0x6a: {  	_ =	shalt  }
0x6b: {  	_ =	shalt  }
0x6c: {  	_ =	shalt  }
0x6d: {  	_ =	shalt  }
0x6e: {  	_ =	shalt  }
0x6f: {  	_ =	shalt  }
0x70: {  	_ =	shalt  }
0x71: {  	_ =	shalt  }
0x72: {  	_ =	shalt  }
0x73: {  	_ =	shalt  }
0x74: {  	_ =	shalt  }
0x75: {  	_ =	shalt  }
0x76: {  	_ =	shalt  }
0x77: {  	_ =	shalt  }
0x78: {  	_ =	shalt  }
0x79: {  	_ =	shalt  }
0x7a: {  	_ =	shalt  }
0x7b: {  	_ =	shalt  }
0x7c: {  	_ =	shalt  }
0x7d: {  	_ =	shalt  }
0x7e: {  	_ =	shalt  }
0x7f: {  	_ =	shalt  }
0x80: {  	_ =	shalt  }
0x81: {  	_ =	shalt  }
0x82: {  	_ =	shalt  }
0x83: {  	_ =	shalt  }
0x84: {  	_ =	shalt  }
0x85: {  	_ =	shalt  }
0x86: {  	_ =	shalt  }
0x87: {  	_ =	shalt  }
.Lfunc_end0:
.L_simem_size_0:
called_computation_lowered:
.L_overlay_start_0:
0x88: {  	s0 =	sld [smem:$0x3FD9]  }
0x89: {  	s1 =	sld [smem:$0x3FFE];
	_ =	sdelay $0x3  }
0x8a: {  	s0 =	sadd.s32 s1, s0  }
0x8b: {  	[smem:$0x3FC3] =	sst s0  }
0x8c: {  	_ = 	snop  }
0x8d: {  	s0 =	sld [smem:$0x3FD0];
	(tm) =	ssettm $0x1  }
0x8e: {  	s16 =	sld [smem:$0x3FFB];
	_ =	sdelay $0x3  }
0x8f: {  	_ =	strace s16  }
0x90: {  	s1 =	sld [smem:$0x3FFC];
	_ =	sdelay $0x3  }
0x91: {  	_ =	strace s1  }
0x92: {  	s1 =	sld [smem:$0x3FFD];
	_ =	sdelay $0x3  }
0x93: {  	_ =	strace s1  }
0x94: {  	_ =	strace $0x8FFFFFFF  }
0x95: {  	s17 =	sld [smem:$0x3FDB];
	_ =	sdelay $0x1  }
0x96: {  	s2 =	simm.s32 $_scs_section_size  }
0x97: {  	s3 =	simm.s32 $_size__tile_overlayer_lowered;
	s4 =	simm.s32 $_tile_overlayer_lowered  }
0x98: {  	s20 =	simm.s32 $0x1BFF;
	s19 =	sshll.u32 s4, $0x1;
	s1 =	sadd.s32 s2, s17  }
0x99: {  	s5 =	simm.s32 $0x0;
	s18 =	sshll.u32 s3, $0x1;
	s3 =	sadd.s32 s19, s1  }
0x9a: {  	[timem:s5], [sflag:s20] =	dma.local [hbm:s3], s18  }
0x9b: {  	_ =	swait.ge [sflag:s20], s18  }
0x9c: {  	s2 =	ssub.s32 $0x0, s18;
	[sflag:s20] =	ssyncset.done $0x0  }
0x9d: {  	[sflag:s20] =	ssyncadd.s32 s2;
	_ =	sdelay $0x1  }
0x9e: {  	s21 =	simm.s32 $0x1B8B  }
0x9f: {  	_ =	swait.ge [sflag:s21], $0x1  }
0xa0: {  	[sflag:s21] =	ssyncset.done $0x0  }
0xa1: {  	s23 =	simm.s32 $0x1B8E;
	s22 =	sld [smem:$0x3FFE];
	[sflag:s21] =	ssyncadd.s32 $0xFFFFFFFF  }
0xa2: {  	s24 =	simm.s32 $execute0_lowered;
	[smem:$0x3FD2] =	sst s23  }
0xa3: {  	s3 =	sshll.u32 s24, $0x1;
	_ =	strace $0x80000046;
	[dreg:$0x1] =	wrdreg $0xFFFFFFFF  }
0xa4: {  	s25 =	simm.s32 $_size_execute0_lowered;
	s1 =	sadd.s32 s1, s3;
	[dreg:$0x0] =	wrdreg $0x0  }
0xa5: {  	s3 =	sshll.u32 s25, $0x1;
	[dreg:$0x2] =	wrdreg s1  }
0xa6: {  	[dreg:$0x3] =	wrdreg s3  }
0xa7: {  	[dreg:$0x4] =	wrdreg $0xC0  }
0xa8: {  	_ =	task [dreg:s5], $0x5FFFF  }
0xa9: {  	[dreg:$0x1] =	wrdreg $0xFFFFFFFF  }
0xaa: {  	[dreg:$0x0] =	wrdreg $0x60  }
0xab: {  	[dreg:$0x2] =	wrdreg s22  }
0xac: {  	[dreg:$0x3] =	wrdreg s0  }
0xad: {  	[dreg:$0x4] =	wrdreg $0xEE000  }
0xae: {  	[dreg:$0x5] =	wrdreg $0xEE100  }
0xaf: {  	[dreg:$0x6] =	wrdreg $0x9  }
0xb0: {  	_ =	task.clear_ibuf [dreg:s5], $0x7FFFF;
	_ =	strace $0x90000046  }
0xb1: {  	s26 =	simm.s32 $0x9;
	_ =	strace $0x80000048  }
0xb2: {  	_ =	swait.ge [sflag:s26], $0x1  }
0xb3: {  	[sflag:s26] =	ssyncadd.s32 $0xFFFFFFFF  }
0xb4: {  	_ =	strace $0x90000048  }
0xb5: {  	_ =	sfence  }
0xb6: {  	s28 =	sld [smem:$0x0];
	_ =	sdelay $0x1  }
0xb7: {  	s29 =	srdreg.scid  }
0xb8: {  	s30 =	sshll.u32 s29, $0xD;
	s31 =	sshrl.u32 s29, $0x2  }
0xb9: {  	s2 =	sand.u32 $0x4000, s30;
	s1 =	sand.u32 $0x1, s29;
	s0 =	sadd.s32 s31, s28  }
0xba: {  	s1 =	sor.u32 s2, s1;
	s0 =	sshll.u32 s0, $0x11  }
0xbb: {  	s0 =	sor.u32 s0, s1  }
0xbc: {  	s0 =	sadd.s32 $0x8F2B, s0  }
0xbd: {  	[sflag:s0] =	ssyncadd.remote.s32 $0x1  }
0xbe: {  	_ =	sfence.sel $0xFFFF  }
0xbf: {  	[dreg:$0x0] =	wrdreg $0xFFFFFFFF;
	(pc) =	sbr.abs _section_cstart, $3  }
0xc0: {  	[dreg:$0x1] =	wrdreg $0xFFFFFFFF  }
0xc1: {  	_ =	task.clear_ibuf [dreg:s5], $0x2FFFF;
	_ =	strace $0x9FFFFFFF  }
0xc2: {  	(tm) =	ssettm $0x7FFFFFFF  }
0xc3: {  	_ =	shalt  }
tec
execute0_lowered:
.L_overlay_start_1:
0x0: {  	(tag) =	ssettag $0x1  }
0x1: {  	s7 =	rddreg [dreg:$0x0]  }
0x2: {  	s2 =	rddreg [dreg:$0x1]  }
0x3: {  	s5 =	rddreg [dreg:$0x2]  }
0x4: {  	s4 =	rddreg [dreg:$0x3]  }
0x5: {  	s0 =	rddreg [dreg:$0x4];
	s6 =	simm.s32 $0x0  }
0x6: {  	s1 =	stileid.u32;
	s9 =	simm.s32 $0x1;
	[smem:$0x7FF] =	sst s6  }
0x7: {  	s3 =	sadd.s32 $0x5800, s7;
	s8 =	smul.u32 $0x2710, s1;
	_ =	strace $0x80000047  }
0x8: {  	[tilespmem:s6], [sflag:$0x1] =	stream.linear.gather [hbm4b:s3+s6], $0x4E80, $0x38;
	[tilespmem:$0xEE20] =	vst v63  }
0x9: {  	s3 =	sshrl.u32 s8, $0x3;
	_ =	swait.ge [sflag:s9], $0x4E80  }
0xa: {  	s7 =	sadd.s32 s3, s7;
	[sflag:s9] =	ssyncset.done $0x0  }
0xb: {  	s10 =	simm.s32 $0x4E80;
	s28 =	sadd.s32 $0x6200, s7;
	[sflag:s9] =	ssyncadd.s32 $0xFFFFB180  }
0xc: {  	[tilespmem:s10], [sflag:$0x1] =	stream.linear.gather [hbm4b:s28+s6], $0x2710, $0x38;
	[tilespmem:$0xEE20] =	vst v63  }
0xd: {  	_ =	swait.ge [sflag:s9], $0x2710  }
0xe: {  	[sflag:s9] =	ssyncset.done $0x0  }
0xf: {  	s30 =	simm.s32 $0x7600;
	s29 =	sadd.s32 $0xB020, s7;
	[sflag:s9] =	ssyncadd.s32 $0xFFFFD8F0  }
0x10: {  	[tilespmem:s30], [sflag:$0x1] =	stream.linear.gather [hbm4b:s29+s6], $0x2710, $0x38;
	[tilespmem:$0xEE20] =	vst v63  }
0x11: {  	_ =	swait.ge [sflag:s9], $0x2710  }
0x12: {  	[sflag:s9] =	ssyncset.done $0x0  }
0x13: {  	s31 =	simm.s32 $0x9D80;
	s7 =	sadd.s32 $0x800, s7;
	[sflag:s9] =	ssyncadd.s32 $0xFFFFD8F0  }
0x14: {  	[tilespmem:s31], [sflag:$0x1] =	stream.linear.gather [hbm4b:s7+s6], $0x2710, $0x38;
	[tilespmem:$0xEE20] =	vst v63  }
0x15: {  	_ =	swait.ge [sflag:s9], $0x2710  }
0x16: {  	[sflag:s9] =	ssyncset.done $0x0  }
0x17: {  	s11 =	simm.s32 $0x9DC0;
	[sflag:s9] =	ssyncadd.s32 $0xFFFFD8F0  }
0x18: {  	v1 =	vld [tilespmem:s11+$0xFFFFFFD0]  }
0x19: {  	s7 =	simm.s32 $0x4EC0;
	v0 =	vld [tilespmem:s11+$0xFFFFFFC0]  }
0x1a: {  	v2 =	vld [tilespmem:s7+$0x30]  }
0x1b: {  	s8 =	simm.s32 $0x7640;
	v3 =	vld [tilespmem:s7+$0x20]  }
0x1c: {  	v4 =	vld [tilespmem:s8+$0x30]  }
0x1d: {  	v5 =	vld [tilespmem:s7+$0x10]  }
0x1e: {  	v6 =	vld [tilespmem:s8+$0x20]  }
0x1f: {  	v7 =	vld [tilespmem:s7+$0x0]  }
0x20: {  	v8 =	vld [tilespmem:s8+$0x10]  }
0x21: {  	v9 =	vld [tilespmem:s7+$0xFFFFFFF0]  }
0x22: {  	v10 =	vld [tilespmem:s8+$0x0]  }
0x23: {  	v11 =	vld [tilespmem:s7+$0xFFFFFFE0]  }
0x24: {  	v12 =	vld [tilespmem:s8+$0xFFFFFFF0]  }
0x25: {  	v13 =	vld [tilespmem:s7+$0xFFFFFFD0]  }
0x26: {  	v14 =	vld [tilespmem:s8+$0xFFFFFFE0];
	v2 =	vshll.u32 v2, $0x1  }
0x27: {  	v15 =	vld [tilespmem:s7+$0xFFFFFFC0];
	v3 =	vshll.u32 v3, $0x1  }
0x28: {  	v16 =	vld [tilespmem:s8+$0xFFFFFFD0];
	v5 =	vshll.u32 v5, $0x1  }
0x29: {  	v17 =	vld [tilespmem:s8+$0xFFFFFFC0];
	v7 =	vshll.u32 v7, $0x1  }
0x2a: {  	v20 =	vld [tilespmem:s11+$0xFFFFFFE0];
	v9 =	vshll.u32 v9, $0x1  }
0x2b: {  	v11 =	vshll.u32 v11, $0x1;
	v2 =	vld.idx.msk [tilespmem:v2+s6+$0x0], $0xffff  }
0x2c: {  	v13 =	vshll.u32 v13, $0x1;
	v18 =	vld.idx.msk [tilespmem:v3+s6+$0x0], $0xffff  }
0x2d: {  	v4 =	vshll.u32 v4, $0x1;
	v3 =	vshll.u32 v15, $0x1;
	v5 =	vld.idx.msk [tilespmem:v5+s6+$0x0], $0xffff  }
0x2e: {  	v6 =	vshll.u32 v6, $0x1;
	v4 =	vor.u32 $0x1, v4;
	v15 =	vld.idx.msk [tilespmem:v7+s6+$0x0], $0xffff  }
0x2f: {  	v6 =	vor.u32 $0x1, v6;
	v19 =	vld.idx.msk [tilespmem:v9+s6+$0x0], $0xffff;
	v7 =	vshll.u32 v8, $0x1  }
0x30: {  	v8 =	vshll.u32 v17, $0x1;
	v11 =	vld.idx.msk [tilespmem:v11+s6+$0x0], $0xffff;
	v7 =	vor.u32 $0x1, v7  }
0x31: {  	v9 =	vld.idx.msk [tilespmem:v13+s6+$0x0], $0xffff;
	v13 =	vshll.u32 v16, $0x1;
	v8 =	vor.u32 $0x1, v8  }
0x32: {  	v62 =	vld.idx.msk [tilespmem:v3+s6+$0x0], $0xffff;
	v3 =	vor.u32 $0x1, v13;
	v13 =	vshll.u32 v14, $0x1  }
0x33: {  	v12 =	vshll.u32 v12, $0x1;
	v4 =	vld.idx.msk [tilespmem:v4+s6+$0x0], $0xffff;
	v13 =	vor.u32 $0x1, v13  }
0x34: {  	v10 =	vshll.u32 v10, $0x1;
	v12 =	vor.u32 $0x1, v12;
	v6 =	vld.idx.msk [tilespmem:v6+s6+$0x0], $0xffff  }
0x35: {  	v10 =	vor.u32 $0x1, v10;
	v7 =	vld.idx.msk [tilespmem:v7+s6+$0x0], $0xffff  }
0x36: {  	v8 =	vld.idx.msk [tilespmem:v8+s6+$0x0], $0xffff  }
0x37: {  	v14 =	vld.idx.msk [tilespmem:v3+s6+$0x0], $0xffff  }
0x38: {  	v13 =	vld.idx.msk [tilespmem:v13+s6+$0x0], $0xffff  }
0x39: {  	v12 =	vld.idx.msk [tilespmem:v12+s6+$0x0], $0xffff  }
0x3a: {  	v63 =	vld.idx.msk [tilespmem:v10+s6+$0x0], $0xffff;
	v3 =	vadd.f32 v4, v2  }
0x3b: {  	v10 =	vld [tilespmem:s11+$0xFFFFFFF0];
	v4 =	vadd.f32 v6, v18;
	v2 =	vadd.f32 v8, v62  }
0x3c: {  	v5 =	vadd.f32 v7, v5;
	v6 =	vadd.f32 v14, v9;
	v9 =	vld [tilespmem:s11+$0x0]  }
0x3d: {  	v7 =	vld [tilespmem:s11+$0x10];
	v2 =	vadd.f32 v0, v2;
	v8 =	vadd.f32 v13, v11  }
0x3e: {  	v12 =	vadd.f32 v12, v19;
	v0 =	vimm.f32 $0.0e+00;
	v11 =	vadd.f32 v1, v6;
	v6 =	vld [tilespmem:s11+$0x20]  }
0x3f: {  	s10 =	simm.s32 $0x0;
	s9 =	simm.s32 $0xC540;
	v2 =	vmax.f32 v2, $0.0e+00;
	v14 =	vadd.f32 v63, v15;
	v13 =	vadd.f32 v20, v8;
	v8 =	vld [tilespmem:s11+$0x30];
	s11 =	simm.s32 $0x9E40  }
.LBB2_1:
0x40: {  	v1 =	vld [tilespmem:s11+$0xFFFFFFD0];
	[tilespmem:s9+$0xFFFFFFC0] =	vst v2;
	v0 =	vmax.f32 v0, v2;
	v11 =	vmax.f32 v11, $0.0e+00;
	v10 =	vadd.f32 v10, v12  }
0x41: {  	s7 =	sadd.s32 $0x80, s7;
	v2 =	vld [tilespmem:s11+$0xFFFFFFC0];
	[tilespmem:s9+$0xFFFFFFD0] =	vst v11;
	v0 =	vmax.f32 v0, v11;
	v11 =	vmax.f32 v13, $0.0e+00;
	v9 =	vadd.f32 v9, v14  }
0x42: {  	v12 =	vld [tilespmem:s7+$0x30];
	[tilespmem:s9+$0xFFFFFFE0] =	vst v11;
	v0 =	vmax.f32 v0, v11;
	v10 =	vmax.f32 v10, $0.0e+00;
	v5 =	vadd.f32 v7, v5  }
0x43: {  	s8 =	sadd.s32 $0x80, s8;
	v7 =	vld [tilespmem:s7+$0x20];
	[tilespmem:s9+$0xFFFFFFF0] =	vst v10;
	v0 =	vmax.f32 v0, v10;
	v9 =	vmax.f32 v9, $0.0e+00;
	v4 =	vadd.f32 v6, v4  }
0x44: {  	v6 =	vld [tilespmem:s8+$0x30];
	[tilespmem:s9+$0x0] =	vst v9;
	v0 =	vmax.f32 v0, v9;
	v5 =	vmax.f32 v5, $0.0e+00;
	v3 =	vadd.f32 v8, v3  }
0x45: {  	v8 =	vld [tilespmem:s7+$0x10];
	[tilespmem:s9+$0x10] =	vst v5;
	v0 =	vmax.f32 v0, v5;
	v4 =	vmax.f32 v4, $0.0e+00  }
0x46: {  	v5 =	vld [tilespmem:s8+$0x20];
	[tilespmem:s9+$0x20] =	vst v4;
	v0 =	vmax.f32 v0, v4;
	v3 =	vmax.f32 v3, $0.0e+00  }
0x47: {  	v4 =	vld [tilespmem:s7+$0x0];
	[tilespmem:s9+$0x30] =	vst v3;
	v0 =	vmax.f32 v0, v3  }
0x48: {  	v3 =	vld [tilespmem:s8+$0x10]  }
0x49: {  	v9 =	vld [tilespmem:s7+$0xFFFFFFF0]  }
0x4a: {  	v10 =	vld [tilespmem:s8+$0x0]  }
0x4b: {  	v11 =	vld [tilespmem:s7+$0xFFFFFFE0]  }
0x4c: {  	v13 =	vld [tilespmem:s8+$0xFFFFFFF0]  }
0x4d: {  	v12 =	vshll.u32 v12, $0x1;
	v14 =	vld [tilespmem:s7+$0xFFFFFFD0]  }
0x4e: {  	v7 =	vshll.u32 v7, $0x1;
	v15 =	vld [tilespmem:s8+$0xFFFFFFE0]  }
0x4f: {  	v8 =	vshll.u32 v8, $0x1;
	v16 =	vld [tilespmem:s7+$0xFFFFFFC0]  }
0x50: {  	v4 =	vshll.u32 v4, $0x1;
	v17 =	vld [tilespmem:s8+$0xFFFFFFD0]  }
0x51: {  	v9 =	vshll.u32 v9, $0x1;
	v18 =	vld [tilespmem:s8+$0xFFFFFFC0]  }
0x52: {  	s10 =	sadd.s32 $0x80, s10;
	v11 =	vshll.u32 v11, $0x1;
	v12 =	vld.idx.msk [tilespmem:v12+s6+$0x0], $0xffff  }
0x53: {  	p0 =	slt.u32 s10, $0x2680;
	v14 =	vshll.u32 v14, $0x1;
	v7 =	vld.idx.msk [tilespmem:v7+s6+$0x0], $0xffff  }
0x54: {  	v6 =	vshll.u32 v6, $0x1;
	v16 =	vshll.u32 v16, $0x1;
	v8 =	vld.idx.msk [tilespmem:v8+s6+$0x0], $0xffff  }
0x55: {  	v19 =	vld.idx.msk [tilespmem:v4+s6+$0x0], $0xffff;
	v4 =	vshll.u32 v5, $0x1;
	v5 =	vor.u32 $0x1, v6  }
0x56: {  	v3 =	vshll.u32 v3, $0x1;
	v6 =	vld.idx.msk [tilespmem:v9+s6+$0x0], $0xffff;
	v4 =	vor.u32 $0x1, v4  }
0x57: {  	v3 =	vor.u32 $0x1, v3;
	v9 =	vshll.u32 v18, $0x1;
	v11 =	vld.idx.msk [tilespmem:v11+s6+$0x0], $0xffff  }
0x58: {  	v17 =	vshll.u32 v17, $0x1;
	v9 =	vor.u32 $0x1, v9;
	v14 =	vld.idx.msk [tilespmem:v14+s6+$0x0], $0xffff  }
0x59: {  	v15 =	vshll.u32 v15, $0x1;
	v17 =	vor.u32 $0x1, v17;
	v16 =	vld.idx.msk [tilespmem:v16+s6+$0x0], $0xffff  }
0x5a: {  	v13 =	vshll.u32 v13, $0x1;
	v15 =	vor.u32 $0x1, v15;
	v5 =	vld.idx.msk [tilespmem:v5+s6+$0x0], $0xffff  }
0x5b: {  	v10 =	vshll.u32 v10, $0x1;
	v13 =	vor.u32 $0x1, v13;
	v4 =	vld.idx.msk [tilespmem:v4+s6+$0x0], $0xffff  }
0x5c: {  	v10 =	vor.u32 $0x1, v10;
	v18 =	vld.idx.msk [tilespmem:v3+s6+$0x0], $0xffff  }
0x5d: {  	v9 =	vld.idx.msk [tilespmem:v9+s6+$0x0], $0xffff  }
0x5e: {  	v17 =	vld.idx.msk [tilespmem:v17+s6+$0x0], $0xffff  }
0x5f: {  	v15 =	vld.idx.msk [tilespmem:v15+s6+$0x0], $0xffff  }
0x60: {  	v13 =	vld.idx.msk [tilespmem:v13+s6+$0x0], $0xffff  }
0x61: {  	v20 =	vld.idx.msk [tilespmem:v10+s6+$0x0], $0xffff  }
0x62: {  	v3 =	vadd.f32 v5, v12;
	v21 =	vld [tilespmem:s11+$0xFFFFFFE0]  }
.Ltmp0:
0x63: {  	v4 =	vadd.f32 v4, v7;
	v12 =	vadd.f32 v9, v16;
	v10 =	vld [tilespmem:s11+$0xFFFFFFF0];
	(pc) =	sbr.rel @p0 .LBB2_1-.Ltmp0, $4  }
0x64: {  	v5 =	vadd.f32 v18, v8;
	v14 =	vadd.f32 v17, v14;
	v9 =	vld [tilespmem:s11+$0x0]  }
0x65: {  	v2 =	vadd.f32 v2, v12;
	v8 =	vadd.f32 v15, v11;
	v7 =	vld [tilespmem:s11+$0x10]  }
0x66: {  	v11 =	vadd.f32 v1, v14;
	v12 =	vadd.f32 v13, v6;
	v6 =	vld [tilespmem:s11+$0x20]  }
0x67: {  	s9 =	sadd.s32 $0x80, s9;
	v2 =	vmax.f32 v2, $0.0e+00;
	v14 =	vadd.f32 v20, v19;
	v13 =	vadd.f32 v21, v8;
	v8 =	vld [tilespmem:s11+$0x30];
	s11 =	sadd.s32 $0x80, s11  }
0x68: {  	[tilespmem:s9+$0xFFFFFFC0] =	vst v2;
	v1 =	vmax.f32 v11, $0.0e+00;
	v10 =	vadd.f32 v10, v12  }
0x69: {  	[tilespmem:s9+$0xFFFFFFD0] =	vst v1;
	v60 =	vmax.f32 v13, $0.0e+00;
	v9 =	vadd.f32 v9, v14  }
0x6a: {  	[tilespmem:s9+$0xFFFFFFE0] =	vst v60;
	v10 =	vmax.f32 v10, $0.0e+00;
	v5 =	vadd.f32 v7, v5  }
0x6b: {  	[tilespmem:s9+$0xFFFFFFF0] =	vst v10;
	v7 =	vmax.f32 v9, $0.0e+00;
	v4 =	vadd.f32 v6, v4  }
0x6c: {  	[tilespmem:s9+$0x0] =	vst v7;
	v5 =	vmax.f32 v5, $0.0e+00;
	v3 =	vadd.f32 v8, v3  }
0x6d: {  	[tilespmem:s9+$0x10] =	vst v5;
	v4 =	vmax.f32 v4, $0.0e+00  }
0x6e: {  	[tilespmem:s9+$0x20] =	vst v4;
	v3 =	vmax.f32 v3, $0.0e+00  }
0x6f: {  	[tilespmem:s9+$0x30] =	vst v3  }
0x70: {  	v6 =	vld [tilespmem:$0x7580]  }
0x71: {  	v8 =	vld [tilespmem:$0x9D00];
	_ =	sdelay $0x4  }
0x72: {  	v6 =	vshll.u32 v6, $0x1;
	v8 =	vshll.u32 v8, $0x1  }
0x73: {  	v8 =	vor.u32 $0x1, v8;
	_ =	sdelay $0x2  }
0x74: {  	s6 =	simm.s32 $0x0  }
0x75: {  	v6 =	vld.idx.msk [tilespmem:v6+s6+$0x0], $0xffff  }
0x76: {  	v8 =	vld.idx.msk [tilespmem:v8+s6+$0x0], $0xffff;
	_ =	sdelay $0x1  }
0x77: {  	v0 =	vmax.f32 v0, v2;
	v2 =	vld [tilespmem:$0xC480]  }
0x78: {  	v0 =	vmax.f32 v0, v1  }
0x79: {  	v0 =	vmax.f32 v0, v60  }
0x7a: {  	v0 =	vmax.f32 v0, v10;
	v1 =	vadd.f32 v8, v6  }
0x7b: {  	v0 =	vmax.f32 v0, v7  }
0x7c: {  	v0 =	vmax.f32 v0, v5;
	v1 =	vadd.f32 v2, v1  }
0x7d: {  	v0 =	vmax.f32 v0, v4  }
0x7e: {  	v0 =	vmax.f32 v0, v3;
	v1 =	vmax.f32 v1, $0.0e+00  }
0x7f: {  	s6 =	sshll.u32 s1, $0x4;
	[tilespmem:$0xEC00] =	vst v1;
	v0 =	vmax.f32 v0, v1  }
0x80: {  	s8 =	simm.s32 $0xED80;
	s30 =	simm.s32 $0x1;
	s7 =	sadd.s32 s6, s5;
	[tilespmem:$0xED80] =	vst v0  }
0x81: {  	[spmem:s7] =	stream.linear.scatter [tilespmem:s8], [sflag:$0x1], $0x10, $0x38;
	[tilespmem:$0xEE20] =	vst v63  }
0x82: {  	_ =	swait.ge [sflag:s30], $0x10  }
0x83: {  	[sflag:s30] =	ssyncset.done $0x0  }
0x84: {  	[sflag:s30] =	ssyncadd.s32 $0xFFFFFFF0  }
0x85: {  	s31 =	simm.s32 $0xEC80;
	[bflag:$0x0] =	sbarrier.arrive $0xFFFF  }
0x86: {  	[tilespmem:s31], [sflag:$0x1] =	stream.linear.gather [spmem:s5], $0x100, $0x38;
	[tilespmem:$0xEE20] =	vst v63  }
0x87: {  	_ =	swait.ge [sflag:s30], $0x100  }
0x88: {  	[sflag:s30] =	ssyncset.done $0x0  }
0x89: {  	[sflag:s30] =	ssyncadd.s32 $0xFFFFFF00  }
0x8a: {  	v0 =	vld [tilespmem:$0xEC80]  }
0x8b: {  	v1 =	vld [tilespmem:$0xEC90]  }
0x8c: {  	v2 =	vld [tilespmem:$0xECA0]  }
0x8d: {  	v3 =	vld [tilespmem:$0xECB0]  }
0x8e: {  	v4 =	vld [tilespmem:$0xECC0]  }
0x8f: {  	v5 =	vld [tilespmem:$0xECD0]  }
0x90: {  	v0 =	vmax.f32 v0, v1;
	v1 =	vld [tilespmem:$0xECE0]  }
0x91: {  	v0 =	vmax.f32 v0, v2;
	v2 =	vld [tilespmem:$0xECF0]  }
0x92: {  	v0 =	vmax.f32 v0, v3;
	v3 =	vld [tilespmem:$0xED00]  }
0x93: {  	v0 =	vmax.f32 v0, v4;
	v4 =	vld [tilespmem:$0xED10]  }
0x94: {  	v0 =	vmax.f32 v0, v5;
	v5 =	vld [tilespmem:$0xED20]  }
0x95: {  	v0 =	vmax.f32 v0, v1;
	v1 =	vld [tilespmem:$0xED30]  }
0x96: {  	v0 =	vmax.f32 v0, v2;
	v2 =	vld [tilespmem:$0xED40]  }
0x97: {  	v0 =	vmax.f32 v0, v3;
	v3 =	vld [tilespmem:$0xED50]  }
0x98: {  	v0 =	vmax.f32 v0, v4;
	v4 =	vld [tilespmem:$0xED60]  }
0x99: {  	v0 =	vmax.f32 v0, v5;
	v5 =	vld [tilespmem:$0xED70]  }
0x9a: {  	v0 =	vmax.f32 v0, v1  }
0x9b: {  	v0 =	vmax.f32 v0, v2  }
0x9c: {  	v0 =	vmax.f32 v0, v3  }
0x9d: {  	v0 =	vmax.f32 v0, v4  }
0x9e: {  	v0 =	vmax.f32 v0, v5  }
0x9f: {  	(xrf0) =	vmax.scan.msk.f32 $0xffff, v0;
	_ =	sdelay $0x2  }
0xa0: {  	s5 =	simm.s32 $0xC540  }
0xa1: {  	v1 =	vld [tilespmem:s5+$0xFFFFFFC0];
	_ =	sdelay $0x1  }
0xa2: {  	v2 =	vld [tilespmem:s5+$0xFFFFFFD0];
	v0, _, _ =	vpop (xrf0)  }
0xa3: {  	v0 =	vbroadcast v0, $0xF  }
0xa4: {  	v3 =	vld [tilespmem:s5+$0xFFFFFFE0]  }
0xa5: {  	v4 =	vld [tilespmem:s5+$0xFFFFFFF0];
	v1 =	vsub.f32 v1, v0;
	_ =	sdelay $0x1  }
0xa6: {  	v2 =	vsub.f32 v2, v0;
	v1 =	vmul.f32 $1.442695020e+00, v1  }
0xa7: {  	v5 =	vld [tilespmem:s5+$0x0]  }
0xa8: {  	v3 =	vsub.f32 v3, v0;
	v2 =	vmul.f32 $1.442695020e+00, v2;
	(erf) = vpow2.f32 v1  }
0xa9: {  	v4 =	vsub.f32 v4, v0;
	v1 =	vld [tilespmem:s5+$0x10]  }
0xaa: {  	v6 =	vld [tilespmem:s5+$0x20];
	v3 =	vmul.f32 $1.442695020e+00, v3;
	(erf) = vpow2.f32 v2  }
0xab: {  	v4 =	vmul.f32 $1.442695020e+00, v4  }
0xac: {  	v2 =	vsub.f32 v5, v0;
	(erf) = vpow2.f32 v3  }
0xad: {  	s7 =	simm.s32 $0xC5C0;
	(erf) = vpow2.f32 v4;
	v4 =	vld [tilespmem:s5+$0x30]  }
0xae: {  	v5 =	vld [tilespmem:s7+$0xFFFFFFC0];
	v2 =	vmul.f32 $1.442695020e+00, v2;
	v1 =	vsub.f32 v1, v0  }
0xaf: {  	v3 =	vsub.f32 v6, v0  }
0xb0: {  	v7 =	vld [tilespmem:s7+$0xFFFFFFD0];
	(erf) = vpow2.f32 v2;
	v1 =	vmul.f32 $1.442695020e+00, v1  }
0xb1: {  	v3 =	vmul.f32 $1.442695020e+00, v3;
	v2 =	vimm.f32 $0.0e+00;
	v6 =	vpop (erf)  }
0xb2: {  	v4 =	vsub.f32 v4, v0;
	(erf) = vpow2.f32 v1;
	v2 =	vadd.f32 v6, v2  }
0xb3: {  	v5 =	vsub.f32 v5, v0;
	v1 =	vld [tilespmem:s7+$0xFFFFFFE0];
	v8 =	vpop (erf)  }
0xb4: {  	(erf) = vpow2.f32 v3;
	v4 =	vmul.f32 $1.442695020e+00, v4;
	v2 =	vadd.f32 v8, v2  }
0xb5: {  	v3 =	vld [tilespmem:s7+$0xFFFFFFF0];
	[tilespmem:s5+$0xFFFFFFC0] =	vst v6;
	v6 =	vsub.f32 v7, v0;
	v61 =	vpop (erf)  }
0xb6: {  	v62 =	vld [tilespmem:s7+$0x0];
	v5 =	vmul.f32 $1.442695020e+00, v5;
	(erf) = vpow2.f32 v4;
	v2 =	vadd.f32 v61, v2  }
0xb7: {  	v7 =	vpop (erf);
	v4 =	vmul.f32 $1.442695020e+00, v6  }
0xb8: {  	v63 =	vld [tilespmem:s7+$0x10];
	(erf) = vpow2.f32 v5;
	v1 =	vsub.f32 v1, v0;
	v2 =	vadd.f32 v7, v2  }
0xb9: {  	[tilespmem:s5+$0xFFFFFFD0] =	vst v8;
	v6 =	vpop (erf);
	(erf) = vpow2.f32 v4  }
0xba: {  	[tilespmem:s5+$0xFFFFFFF0] =	vst v7;
	v3 =	vsub.f32 v3, v0;
	v1 =	vmul.f32 $1.442695020e+00, v1;
	v7 =	vadd.f32 v6, v2;
	v2 =	vld [tilespmem:s7+$0x20]  }
0xbb: {  	[tilespmem:s5+$0xFFFFFFE0] =	vst v61;
	v5 =	vsub.f32 v62, v0;
	v4 =	vpop (erf)  }
0xbc: {  	[tilespmem:s5+$0x0] =	vst v6;
	v6 =	vmul.f32 $1.442695020e+00, v3;
	v3 =	vld [tilespmem:s7+$0x30];
	(erf) = vpow2.f32 v1;
	v1 =	vadd.f32 v4, v7  }
0xbd: {  	s9 =	simm.s32 $0xC640;
	s8 =	simm.s32 $0x80;
	[tilespmem:s5+$0x10] =	vst v4;
	v7 =	vsub.f32 v63, v0;
	v4 =	vpop (erf)  }
.LBB2_3:
0xbe: {  	v8 =	vld [tilespmem:s9+$0xFFFFFFC0];
	v5 =	vmul.f32 $1.442695020e+00, v5;
	(erf) = vpow2.f32 v6;
	[tilespmem:s5+$0x20] =	vst v4;
	v1 =	vadd.f32 v4, v1  }
0xbf: {  	s8 =	sadd.s32 $0x80, s8;
	v2 =	vsub.f32 v2, v0;
	v4 =	vpop (erf)  }
0xc0: {  	p0 =	slt.u32 s8, $0x2680;
	v9 =	vmul.f32 $1.442695020e+00, v7;
	v6 =	vld [tilespmem:s9+$0xFFFFFFD0];
	(erf) = vpow2.f32 v5;
	[tilespmem:s5+$0x30] =	vst v4;
	v1 =	vadd.f32 v4, v1;
	s5 =	smov.u32 s7;
	s7 =	smov.u32 s9  }
0xc1: {  	v3 =	vsub.f32 v3, v0;
	v4 =	vpop (erf)  }
0xc2: {  	v2 =	vmul.f32 $1.442695020e+00, v2;
	v5 =	vld [tilespmem:s9+$0xFFFFFFE0];
	[tilespmem:s5+$0xFFFFFFC0] =	vst v4;
	v1 =	vadd.f32 v4, v1;
	(erf) = vpow2.f32 v9  }
0xc3: {  	v4 =	vsub.f32 v8, v0;
	v7 =	vpop (erf)  }
0xc4: {  	v3 =	vmul.f32 $1.442695020e+00, v3;
	v8 =	vld [tilespmem:s9+$0xFFFFFFF0];
	[tilespmem:s5+$0xFFFFFFD0] =	vst v7;
	v1 =	vadd.f32 v7, v1;
	(erf) = vpow2.f32 v2  }
0xc5: {  	v2 =	vsub.f32 v6, v0;
	v6 =	vpop (erf)  }
0xc6: {  	v4 =	vmul.f32 $1.442695020e+00, v4;
	v7 =	vld [tilespmem:s9+$0x0];
	[tilespmem:s5+$0xFFFFFFE0] =	vst v6;
	v1 =	vadd.f32 v6, v1;
	(erf) = vpow2.f32 v3  }
0xc7: {  	v3 =	vsub.f32 v5, v0;
	v5 =	vpop (erf)  }
0xc8: {  	v6 =	vmul.f32 $1.442695020e+00, v2;
	v9 =	vld [tilespmem:s9+$0x10];
	(erf) = vpow2.f32 v4;
	[tilespmem:s5+$0xFFFFFFF0] =	vst v5;
	v1 =	vadd.f32 v5, v1  }
.Ltmp1:
0xc9: {  	v4 =	vsub.f32 v8, v0;
	v5 =	vpop (erf);
	(pc) =	sbr.rel @p0 .LBB2_3-.Ltmp1, $4  }
0xca: {  	v8 =	vmul.f32 $1.442695020e+00, v3;
	v2 =	vld [tilespmem:s9+$0x20];
	(erf) = vpow2.f32 v6;
	[tilespmem:s5+$0x0] =	vst v5;
	v1 =	vadd.f32 v5, v1  }
0xcb: {  	v5 =	vsub.f32 v7, v0;
	v7 =	vpop (erf)  }
0xcc: {  	v6 =	vmul.f32 $1.442695020e+00, v4;
	v3 =	vld [tilespmem:s9+$0x30];
	(erf) = vpow2.f32 v8;
	[tilespmem:s5+$0x10] =	vst v7;
	v1 =	vadd.f32 v7, v1  }
0xcd: {  	s9 =	sadd.s32 $0x80, s9;
	v7 =	vsub.f32 v9, v0;
	v4 =	vpop (erf)  }
0xce: {  	_ =	sdelay $0x1  }
0xcf: {  	v5 =	vmul.f32 $1.442695020e+00, v5;
	v2 =	vsub.f32 v2, v0  }
0xd0: {  	(erf) = vpow2.f32 v6;
	v6 =	vmul.f32 $1.442695020e+00, v7;
	v3 =	vsub.f32 v3, v0  }
0xd1: {  	(erf) = vpow2.f32 v5;
	v2 =	vmul.f32 $1.442695020e+00, v2  }
0xd2: {  	(erf) = vpow2.f32 v6;
	v3 =	vmul.f32 $1.442695020e+00, v3  }
0xd3: {  	(erf) = vpow2.f32 v2  }
0xd4: {  	(erf) = vpow2.f32 v3  }
0xd5: {  	[tilespmem:s5+$0x20] =	vst v4;
	v2 =	vpop (erf)  }
0xd6: {  	[tilespmem:s5+$0x30] =	vst v2;
	v3 =	vpop (erf)  }
0xd7: {  	v5 =	vpop (erf);
	[tilespmem:s7+$0xFFFFFFC0] =	vst v3  }
0xd8: {  	v6 =	vpop (erf);
	[tilespmem:s7+$0xFFFFFFD0] =	vst v5  }
0xd9: {  	[tilespmem:s7+$0xFFFFFFE0] =	vst v6;
	v7 =	vpop (erf)  }
0xda: {  	[tilespmem:s7+$0xFFFFFFF0] =	vst v7;
	v8 =	vpop (erf)  }
0xdb: {  	[tilespmem:s7+$0x0] =	vst v8;
	v9 =	vpop (erf)  }
0xdc: {  	[tilespmem:s7+$0x10] =	vst v9;
	v10 =	vpop (erf)  }
0xdd: {  	[tilespmem:s7+$0x20] =	vst v10;
	v11 =	vpop (erf)  }
0xde: {  	v1 =	vadd.f32 v4, v1;
	[tilespmem:s7+$0x30] =	vst v11  }
0xdf: {  	v4 =	vld [tilespmem:$0xEC00]  }
0xe0: {  	v1 =	vadd.f32 v2, v1;
	_ =	sdelay $0x1  }
0xe1: {  	v1 =	vadd.f32 v3, v1;
	_ =	sdelay $0x1  }
0xe2: {  	v1 =	vadd.f32 v5, v1;
	v0 =	vsub.f32 v4, v0;
	_ =	sdelay $0x1  }
0xe3: {  	v1 =	vadd.f32 v6, v1;
	v0 =	vmul.f32 $1.442695020e+00, v0;
	_ =	sdelay $0x1  }
0xe4: {  	v1 =	vadd.f32 v7, v1;
	(erf) = vpow2.f32 v0;
	_ =	sdelay $0x1  }
0xe5: {  	v0 =	vadd.f32 v8, v1;
	_ =	sdelay $0x1  }
0xe6: {  	v0 =	vadd.f32 v9, v0;
	_ =	sdelay $0x1  }
0xe7: {  	v0 =	vadd.f32 v10, v0;
	_ =	sdelay $0x1  }
0xe8: {  	v0 =	vadd.f32 v11, v0  }
0xe9: {  	v1 =	vpop (erf)  }
0xea: {  	v0 =	vadd.f32 v1, v0  }
0xeb: {  	[tilespmem:$0xEC00] =	vst v1  }
0xec: {  	s28 =	sadd.s32 s6, s4;
	s29 =	simm.s32 $0xED80;
	s30 =	simm.s32 $0x1;
	[tilespmem:$0xED80] =	vst v0  }
0xed: {  	[spmem:s28] =	stream.linear.scatter [tilespmem:s29], [sflag:$0x1], $0x10, $0x38;
	[tilespmem:$0xEE20] =	vst v63  }
0xee: {  	_ =	swait.ge [sflag:s30], $0x10  }
0xef: {  	[sflag:s30] =	ssyncset.done $0x0  }
0xf0: {  	[sflag:s30] =	ssyncadd.s32 $0xFFFFFFF0  }
0xf1: {  	s31 =	simm.s32 $0xEC80;
	[bflag:$0x0] =	sbarrier.arrive $0xFFFF  }
0xf2: {  	[tilespmem:s31], [sflag:$0x1] =	stream.linear.gather [spmem:s4], $0x100, $0x38;
	[tilespmem:$0xEE20] =	vst v63  }
0xf3: {  	_ =	swait.ge [sflag:s30], $0x100  }
0xf4: {  	[sflag:s30] =	ssyncset.done $0x0  }
0xf5: {  	[sflag:s30] =	ssyncadd.s32 $0xFFFFFF00  }
0xf6: {  	v0 =	vld [tilespmem:$0xEC80]  }
0xf7: {  	v1 =	vld [tilespmem:$0xEC90];
	_ =	sdelay $0x1  }
0xf8: {  	v2 =	vld [tilespmem:$0xECA0];
	_ =	sdelay $0x1  }
0xf9: {  	v3 =	vld [tilespmem:$0xECB0]  }
0xfa: {  	v0 =	vadd.f32 v1, v0  }
0xfb: {  	v1 =	vld [tilespmem:$0xECC0]  }
0xfc: {  	v0 =	vadd.f32 v2, v0  }
0xfd: {  	v2 =	vld [tilespmem:$0xECD0]  }
0xfe: {  	v0 =	vadd.f32 v3, v0  }
0xff: {  	v3 =	vld [tilespmem:$0xECE0]  }
0x100: {  	v0 =	vadd.f32 v1, v0  }
0x101: {  	v1 =	vld [tilespmem:$0xECF0]  }
0x102: {  	v0 =	vadd.f32 v2, v0  }
0x103: {  	v2 =	vld [tilespmem:$0xED00]  }
0x104: {  	v0 =	vadd.f32 v3, v0  }
0x105: {  	v3 =	vld [tilespmem:$0xED10]  }
0x106: {  	v0 =	vadd.f32 v1, v0  }
0x107: {  	v1 =	vld [tilespmem:$0xED20]  }
0x108: {  	v0 =	vadd.f32 v2, v0  }
0x109: {  	v2 =	vld [tilespmem:$0xED30]  }
0x10a: {  	v0 =	vadd.f32 v3, v0  }
0x10b: {  	v3 =	vld [tilespmem:$0xED40]  }
0x10c: {  	v0 =	vadd.f32 v1, v0  }
0x10d: {  	v1 =	vld [tilespmem:$0xED50]  }
0x10e: {  	v0 =	vadd.f32 v2, v0  }
0x10f: {  	v2 =	vld [tilespmem:$0xED60]  }
0x110: {  	v0 =	vadd.f32 v3, v0  }
0x111: {  	v3 =	vld [tilespmem:$0xED70]  }
0x112: {  	v0 =	vadd.f32 v1, v0;
	_ =	sdelay $0x1  }
0x113: {  	v0 =	vadd.f32 v2, v0;
	_ =	sdelay $0x1  }
0x114: {  	v0 =	vadd.f32 v3, v0;
	_ =	sdelay $0x1  }
0x115: {  	(xrf2) =	vadd.scan.msk.f32 $0xffff, v0;
	_ =	sdelay $0x9  }
0x116: {  	v0, _, _ =	vpop (xrf2)  }
0x117: {  	v0 =	vbroadcast v0, $0xF;
	_ =	sdelay $0x1  }
0x118: {  	(erf) = vrcp.f32 v0;
	_ =	sdelay $0x3  }
0x119: {  	s4 =	simm.s32 $0xC540  }
0x11a: {  	v3 =	vld [tilespmem:s4+$0x30]  }
0x11b: {  	v5 =	vld [tilespmem:s4+$0xFFFFFFD0]  }
0x11c: {  	v7 =	vld [tilespmem:s4+$0xFFFFFFE0]  }
0x11d: {  	v4 =	vld [tilespmem:s4+$0xFFFFFFF0]  }
0x11e: {  	v2 =	vld [tilespmem:s4+$0x0];
	v0 =	vpop (erf)  }
0x11f: {  	v1 =	vld [tilespmem:s4+$0x10];
	v8 =	vmul.f32 v3, v0  }
0x120: {  	v3 =	vld [tilespmem:s4+$0x20];
	v6 =	vmul.f32 v5, v0  }
0x121: {  	s6 =	simm.s32 $0xC5C0;
	s5 =	simm.s32 $0x0;
	v5 =	vld [tilespmem:s4+$0xFFFFFFC0];
	v7 =	vmul.f32 v7, v0;
	[tilespmem:s4+$0x30] =	vst v8  }
.LBB2_5:
0x122: {  	v8 =	vld [tilespmem:s6+$0x30];
	s5 =	sadd.s32 $0x80, s5;
	[tilespmem:s4+$0xFFFFFFD0] =	vst v6;
	v4 =	vmul.f32 v4, v0  }
0x123: {  	v6 =	vld [tilespmem:s6+$0xFFFFFFD0];
	p0 =	slt.u32 s5, $0x2680;
	[tilespmem:s4+$0xFFFFFFE0] =	vst v7;
	v2 =	vmul.f32 v2, v0  }
0x124: {  	v7 =	vld [tilespmem:s6+$0xFFFFFFE0];
	[tilespmem:s4+$0xFFFFFFF0] =	vst v4;
	v1 =	vmul.f32 v1, v0  }
.Ltmp2:
0x125: {  	v4 =	vld [tilespmem:s6+$0xFFFFFFF0];
	[tilespmem:s4+$0x0] =	vst v2;
	v3 =	vmul.f32 v3, v0;
	(pc) =	sbr.rel @p0 .LBB2_5-.Ltmp2, $4  }
0x126: {  	v2 =	vld [tilespmem:s6+$0x0];
	v5 =	vmul.f32 v5, v0;
	[tilespmem:s4+$0x10] =	vst v1  }
0x127: {  	v1 =	vld [tilespmem:s6+$0x10];
	v8 =	vmul.f32 v8, v0;
	[tilespmem:s4+$0x20] =	vst v3  }
0x128: {  	v6 =	vmul.f32 v6, v0;
	v3 =	vld [tilespmem:s6+$0x20];
	[tilespmem:s4+$0xFFFFFFC0] =	vst v5;
	s4 =	smov.u32 s6  }
0x129: {  	s6 =	sadd.s32 $0x80, s6;
	v5 =	vld [tilespmem:s4+$0xFFFFFFC0];
	v7 =	vmul.f32 v7, v0;
	[tilespmem:s4+$0x30] =	vst v8  }
0x12a: {  	[tilespmem:s4+$0xFFFFFFD0] =	vst v6;
	v4 =	vmul.f32 v4, v0  }
0x12b: {  	[tilespmem:s4+$0xFFFFFFE0] =	vst v7;
	v2 =	vmul.f32 v2, v0  }
0x12c: {  	[tilespmem:s4+$0xFFFFFFF0] =	vst v4;
	v1 =	vmul.f32 v1, v0  }
0x12d: {  	[tilespmem:s4+$0x0] =	vst v2;
	v61 =	vmul.f32 v3, v0  }
0x12e: {  	v62 =	vmul.f32 v5, v0;
	[tilespmem:s4+$0x10] =	vst v1  }
0x12f: {  	[tilespmem:s4+$0x20] =	vst v61  }
0x130: {  	[tilespmem:s4+$0xFFFFFFC0] =	vst v62  }
0x131: {  	v1 =	vld [tilespmem:$0xEC00];
	_ =	sdelay $0x4  }
0x132: {  	v63 =	vmul.f32 v1, v0  }
0x133: {  	s2 =	sadd.s32 s2, s3  }
0x134: {  	s29 =	simm.s32 $0x0;
	s30 =	simm.s32 $0xC500;
	s31 =	simm.s32 $0x1;
	[tilespmem:$0xEC00] =	vst v63  }
0x135: {  	[hbm4b:s2+s29] =	stream.linear.scatter [tilespmem:s30], [sflag:$0x1], $0x2710, $0x38;
	[tilespmem:$0xEE20] =	vst v63  }
0x136: {  	_ =	swait.ge [sflag:s31], $0x2710  }
0x137: {  	[sflag:s31] =	ssyncset.done $0x0  }
0x138: {  	[sflag:s31] =	ssyncadd.s32 $0xFFFFD8F0  }
0x139: {  	_ =	sfence.sel $0x180000  }
0x13a: {  	[bflag:$0x0] =	sbarrier.arrive $0xFFFF  }
0x13b: {  	p0 =	sne.s32 s1, $0x0;
	_ =	strace $0x90000047  }
0x13c: {  	s0 =	sadd.s32 @!p0 $0x100000, s0;
	[bflag:$0x2] =	sbarrier.arrive $0xFFFF  }
0x13d: {  	[sflag:s0] =	ssyncadd.tile.s32 @!p0 $0x1;
	_ =	shalt  }
.Lfunc_end2:
_tile_overlayer_lowered:
.L_overlay_start_2:
0x13e: {  	(tag) =	ssettag $0x2  }
0x13f: {  	s0 =	rddreg [dreg:$0x0];
	s2 =	stileid.u32  }
0x140: {  	s1 =	rddreg [dreg:$0x1];
	p0 =	sne.s32 s2, $0x0  }
0x141: {  	s3 =	rddreg [dreg:$0x2];
	[bflag:$0x3] =	sbarrier.arrive $0xFFFF;
	s2 =	simm.s32 @!p0 $0x1C01  }
0x142: {  	[timem:s3], [sflag:s2] =	dma.local @!p0 [hbm:s0], s1  }
0x143: {  	s0 =	simm.s32 @!p0 $0x1  }
0x144: {  	_ =	swait.ge @!p0 [sflag:s0], s1  }
0x145: {  	s1 =	ssub.s32 @!p0 $0x0, s1;
	[sflag:s0] =	ssyncset.done @!p0 $0x0  }
0x146: {  	[sflag:s0] =	ssyncadd.s32 @!p0 s1  }
0x147: {  	[bflag:$0x3] =	sbarrier.arrive $0xFFFF  }
0x148: {  	_ =	shalt  }

</sc_bundles>
